<compile_context>
chip_gen: v7x
topology: tpu7x:2x2x1
jax: 0.10.2.dev20260603
libtpu: 0.0.44.dev20260713+nightly
codegen_flags: <defaults>
</compile_context>

<pallas_src>
import functools

import jax
import jax.numpy as jnp
from jax import lax
from jax.experimental import pallas as pl
from jax.experimental.pallas import tpu as pltpu
from jax.experimental.pallas import tpu_sc as plsc

N_NODES = 10000
D = 128
N_EDGES = 320000

NC = 2
NS = 16
NW = NC * NS
EDGES_PER_TILE = N_EDGES // NW
CHUNK = 80
N_CHUNKS = EDGES_PER_TILE // CHUNK
N_TRI = (N_CHUNKS - 2) // 3
N_PAD = 10240
ROWS_PER_TILE = N_PAD // NS
OUT_SUB = ROWS_PER_TILE // CHUNK

_mesh = plsc.VectorSubcoreMesh(
    core_axis_name="c", subcore_axis_name="s", num_cores=NC, num_subcores=NS
)


@functools.partial(
    pl.kernel,
    out_type=jax.ShapeDtypeStruct((NC * N_NODES,), jnp.float32),
    mesh=_mesh,
    scratch_types=[
        pltpu.VMEM((N_CHUNKS, CHUNK), jnp.int32),
        pltpu.VMEM((CHUNK,), jnp.float32),
        pltpu.VMEM((1000,), jnp.float32),
        pltpu.VMEM_SHARED((N_NODES,), jnp.float32),
        pltpu.SemaphoreType.DMA,
    ],
)
def _deg_kernel(dst_hbm, ones_hbm, zeros_hbm, out_hbm, didx_m, ones_v, stage_v,
                hist_s, sem0):
    c = lax.axis_index("c")
    s = lax.axis_index("s")
    wid = c * NS + s

    @pl.when(s < 10)
    def _():
        pltpu.sync_copy(zeros_hbm, stage_v)
        pltpu.sync_copy(stage_v, hist_s.at[pl.ds(s * 1000, 1000)])

    pltpu.sync_copy(ones_hbm, ones_v)
    pltpu.sync_copy(dst_hbm.at[wid], didx_m)
    plsc.subcore_barrier()

    def body(j, carry):
        pltpu.async_copy(ones_v, hist_s.at[didx_m.at[j]], sem0, add=True)
        pltpu.make_async_copy(ones_v, hist_s.at[didx_m.at[0]], sem0).wait()
        return carry

    lax.fori_loop(0, N_CHUNKS, body, 0)
    plsc.subcore_barrier()

    @pl.when(s < 10)
    def _():
        pltpu.sync_copy(hist_s.at[pl.ds(s * 1000, 1000)], stage_v)
        pltpu.sync_copy(stage_v, out_hbm.at[pl.ds(c * N_NODES + s * 1000, 1000)])


@functools.partial(
    pl.kernel,
    out_type=jax.ShapeDtypeStruct((NC, N_PAD, D), jnp.float32),
    mesh=_mesh,
    scratch_types=[
        pltpu.VMEM((CHUNK,), jnp.int32),
        pltpu.VMEM((CHUNK,), jnp.int32),
        pltpu.VMEM((CHUNK,), jnp.int32),
        pltpu.VMEM((N_CHUNKS, CHUNK), jnp.int32),
        pltpu.VMEM((CHUNK, D), jnp.float32),
        pltpu.VMEM((CHUNK, D), jnp.float32),
        pltpu.VMEM((CHUNK, D), jnp.float32),
        pltpu.VMEM_SHARED((N_PAD, D), jnp.float32),
        pltpu.SemaphoreType.DMA,
        pltpu.SemaphoreType.DMA,
        pltpu.SemaphoreType.DMA,
        pltpu.SemaphoreType.DMA,
        pltpu.SemaphoreType.DMA,
        pltpu.SemaphoreType.DMA,
        pltpu.SemaphoreType.DMA,
    ],
)
def _agg_kernel(y_hbm, src_hbm, dst_hbm, zeros_hbm, out_hbm,
                ib0, ib1, ib2, didx_m, rows0, rows1, rows2, hacc_s,
                gsem0, gsem1, gsem2, isem0, isem1, isem2, ssem):
    c = lax.axis_index("c")
    s = lax.axis_index("s")
    wid = c * NS + s
    row0 = s * ROWS_PER_TILE
    ibs = (ib0, ib1, ib2)
    rows = (rows0, rows1, rows2)
    gsems = (gsem0, gsem1, gsem2)
    isems = (isem0, isem1, isem2)

    pltpu.sync_copy(zeros_hbm, rows0)

    def zbody(i, carry):
        pltpu.sync_copy(rows0, hacc_s.at[pl.ds(row0 + i * CHUNK, CHUNK)])
        return carry

    lax.fori_loop(0, OUT_SUB, zbody, 0)

    pltpu.sync_copy(dst_hbm.at[wid], didx_m)

    ibase = wid * EDGES_PER_TILE

    def i_start(j, ib, sem):
        pltpu.async_copy(src_hbm.at[pl.ds(ibase + j * CHUNK, CHUNK)], ib, sem)

    def i_wait(ib, sem):
        pltpu.make_async_copy(src_hbm.at[pl.ds(0, CHUNK)], ib, sem).wait()

    def g_start(ib, buf, sem):
        pltpu.async_copy(y_hbm.at[ib], buf, sem)

    def g_wait(ib, buf, sem):
        pltpu.make_async_copy(y_hbm.at[ib], buf, sem).wait()

    def s_sync(j, buf):
        pltpu.async_copy(buf, hacc_s.at[didx_m.at[j]], ssem, add=True)
        pltpu.make_async_copy(buf, hacc_s.at[didx_m.at[0]], ssem).wait()

    for p in range(3):
        i_start(p, ibs[p], isems[p])
    for p in range(2):
        i_wait(ibs[p], isems[p])
        g_start(ibs[p], rows[p], gsems[p])
    plsc.subcore_barrier()

    def tri(jj, carry):
        for p in range(3):
            j = 3 * jj + p
            q = (p + 2) % 3
            g_wait(ibs[p], rows[p], gsems[p])

            @pl.when(j + 3 < N_CHUNKS)
            def _():
                i_start(j + 3, ibs[p], isems[p])

            s_sync(j, rows[p])

            @pl.when(j + 2 < N_CHUNKS)
            def _():
                i_wait(ibs[q], isems[q])
                g_start(ibs[q], rows[q], gsems[q])

        return carry

    lax.fori_loop(0, N_TRI, tri, 0)
    g_wait(ibs[0], rows[0], gsems[0])
    s_sync(N_CHUNKS - 2, rows[0])
    g_wait(ibs[1], rows[1], gsems[1])
    s_sync(N_CHUNKS - 1, rows[1])
    plsc.subcore_barrier()

    def obody(i, carry):
        r = row0 + i * CHUNK
        pltpu.sync_copy(hacc_s.at[pl.ds(r, CHUNK)], rows0)
        pltpu.sync_copy(rows0, out_hbm.at[c, pl.ds(r, CHUNK)])
        return carry

    lax.fori_loop(0, OUT_SUB, obody, 0)


def _mm_body(x_ref, w_ref, degt_ref, y_ref, dinv_ref):
    xw = jnp.dot(x_ref[...], w_ref[...], preferred_element_type=jnp.float32)
    deg = degt_ref[:, 0:1] + degt_ref[:, 1:2] + 1.0
    dinv = lax.rsqrt(deg)
    dinv_ref[...] = dinv
    y_ref[...] = xw * dinv


_mm = pl.pallas_call(
    _mm_body,
    out_shape=[
        jax.ShapeDtypeStruct((N_NODES, D), jnp.float32),
        jax.ShapeDtypeStruct((N_NODES, 1), jnp.float32),
    ],
)


def _fin_body(h0_ref, h1_ref, y_ref, dinv_ref, x_ref, b_ref, g_ref, be_ref, o_ref):
    h = (h0_ref[...] + h1_ref[...] + y_ref[...]) * dinv_ref[...] + b_ref[...]
    h = jnp.maximum(h, 0.0) + x_ref[...]
    m = jnp.mean(h, axis=0, keepdims=True)
    d = h - m
    v = jnp.mean(d * d, axis=0, keepdims=True)
    o_ref[...] = d * lax.rsqrt(v + 1e-5) * g_ref[...] + be_ref[...]


_fin = pl.pallas_call(
    _fin_body,
    out_shape=jax.ShapeDtypeStruct((N_NODES, D), jnp.float32),
)


def kernel(x, edge_index, W, b, gamma, beta):
    ei = edge_index.astype(jnp.int32)
    srcf = ei[0]
    dst3 = ei[1].reshape(NW, N_CHUNKS, CHUNK)
    ones_c = jnp.ones((CHUNK,), jnp.float32)
    zeros_n = jnp.zeros((1000,), jnp.float32)
    deg_part = _deg_kernel(dst3, ones_c, zeros_n)
    degt = deg_part.reshape(NC, N_NODES).T
    y, dinv = _mm(x, W, degt)
    zeros_rows = jnp.zeros((CHUNK, D), jnp.float32)
    h_part = _agg_kernel(y, srcf, dst3, zeros_rows)
    return _fin(h_part[0, :N_NODES], h_part[1, :N_NODES], y, dinv, x,
                b.reshape(1, D), gamma.reshape(1, D), beta.reshape(1, D))

# --- scband reference (transcript-rebuilt; emitter-appended) ---
"""Pipeline reference for scband-message-passing-layer-57561151701570 (READ-ONLY COPY).

The authoritative reference and input builder live on the scoring server;
editing this copy changes nothing except your own understanding.
"""

import jax, jax.numpy as jnp
import numpy as np

N_NODES = 10000
D = 128
N_EDGES = 320000

def setup_inputs(seed: int = 0) -> dict:
    key = jax.random.key(seed)
    k1, k2, k3, k4, k5, k6 = jax.random.split(key, 6)
    x = jax.random.normal(k1, (N_NODES, D), dtype=jnp.float32)
    edge_index = jax.random.randint(k2, (2, N_EDGES), 0, N_NODES, dtype=jnp.int64)
    # GCNConv learned params (glorot-ish init)
    W = jax.random.normal(k3, (D, D), dtype=jnp.float32) * (1.0 / np.sqrt(D))
    b = jnp.zeros((D,), dtype=jnp.float32)
    # BatchNorm affine params
    gamma = jnp.ones((D,), dtype=jnp.float32)
    beta = jnp.zeros((D,), dtype=jnp.float32)
    return {"x": x, "edge_index": edge_index, "W": W, "b": b, "gamma": gamma, "beta": beta}

def reference(x, edge_index, W, b, gamma, beta):
    N = x.shape[0]
    src = edge_index[0]
    dst = edge_index[1]
    # GCNConv: add self-loops
    loop = jnp.arange(N, dtype=edge_index.dtype)
    src = jnp.concatenate([src, loop])
    dst = jnp.concatenate([dst, loop])
    # symmetric normalization deg^{-1/2} A_hat deg^{-1/2}
    deg = jnp.zeros((N,), dtype=x.dtype).at[dst].add(1.0)
    deg_inv_sqrt = jnp.where(deg > 0, jax.lax.rsqrt(deg), 0.0)
    norm = deg_inv_sqrt[src] * deg_inv_sqrt[dst]
    # linear transform then propagate
    xw = x @ W
    msgs = xw[src] * norm[:, None]
    h_conv = jnp.zeros((N, xw.shape[1]), dtype=x.dtype).at[dst].add(msgs) + b
    # activation
    h_conv = jax.nn.relu(h_conv)
    # dropout p=0.0 -> identity
    # skip connection
    h_conv = h_conv + x
    # BatchNorm (training-mode batch statistics, biased variance)
    mean = jnp.mean(h_conv, axis=0)
    var = jnp.var(h_conv, axis=0)
    h_conv = (h_conv - mean) * jax.lax.rsqrt(var + 1e-5) * gamma + beta
    return h_conv

if __name__ == "__main__":
    import jax
    _d = setup_inputs()
    print(jax.jit(kernel)(*tuple(_d.values())))

</pallas_src>

<mosaic_0001>
#map = affine_map<(d0, d1) -> (0, 0, 0)>
#map1 = affine_map<(d0, d1) -> (0)>
module attributes {stable_mosaic.version = 14 : i64} {
  func.func @_deg_kernel(%arg0: i32, %arg1: i32, %arg2: memref<32x125x80xi32, #tpu.memory_space<hbm>>, %arg3: memref<80xf32, #tpu.memory_space<hbm>>, %arg4: memref<1000xf32, #tpu.memory_space<hbm>>, %arg5: memref<20000xf32, #tpu.memory_space<hbm>>, %arg6: memref<125x80xi32, #tpu.memory_space<vmem>>, %arg7: memref<80xf32, #tpu.memory_space<vmem>>, %arg8: memref<1000xf32, #tpu.memory_space<vmem>>, %arg9: memref<10000xf32, #tpu.memory_space<vmem_shared>>, %arg10: memref<!tpu.dma_semaphore, #tpu.memory_space<semaphore_mem>>) attributes {dimension_semantics = [#tpu.dimension_semantics<core_parallel>, #tpu.dimension_semantics<subcore_parallel>], iteration_bounds = array<i64: 2, 16>, scalar_prefetch = 0 : i64, scratch_operands = 5 : i64, tpu.core_type = #tpu.core_type<sc_vector_subcore>, window_params = [{transform_indices = #map}, {transform_indices = #map1}, {transform_indices = #map1}, {transform_indices = #map1}]} {
    %mul3A = arith.constant 16 : i32
    %mul3A_0 = arith.muli %arg0, %mul3A : i32
    %add3A = arith.addi %mul3A_0, %arg1 : i32
    %lt3A = arith.constant 10 : i32
    %lt3A_1 = arith.cmpi slt, %arg1, %lt3A : i32
    %convert_element_type3A = arith.extui %lt3A_1 : i1 to i32
    %cond3A = arith.constant 0 : i32
    %cond3A_2 = arith.cmpi ne, %convert_element_type3A, %cond3A : i32
    scf.if %cond3A_2 {
      "tpu.region"() ({
        %run_scoped3A = tpu.sem_alloc : memref<!tpu.dma_semaphore, #tpu.memory_space<semaphore_mem>>
        tpu.enqueue_dma source(%arg4 : memref<1000xf32, #tpu.memory_space<hbm>>) target(%arg8 : memref<1000xf32, #tpu.memory_space<vmem>>) target_semaphore(%run_scoped3A : memref<!tpu.dma_semaphore, #tpu.memory_space<semaphore_mem>>)
        tpu.wait_dma2 semaphore(%run_scoped3A : memref<!tpu.dma_semaphore, #tpu.memory_space<semaphore_mem>>) src(%arg4 : memref<1000xf32, #tpu.memory_space<hbm>>) dst(%arg8 : memref<1000xf32, #tpu.memory_space<vmem>>)
        tpu.yield
      }) : () -> ()
      %mul3A_14 = arith.constant 1000 : i32
      %mul3A_15 = arith.muli %arg1, %mul3A_14 : i32
      "tpu.region"() ({
        %run_scoped3A = tpu.sem_alloc : memref<!tpu.dma_semaphore, #tpu.memory_space<semaphore_mem>>
        %dma_start3A = tpu.memref_slice %arg9[%mul3A_15] : memref<10000xf32, #tpu.memory_space<vmem_shared>> -> memref<1000xf32, #tpu.memory_space<vmem_shared>>
        %dma_start3A_16 = tpu.memref_slice %arg9[%mul3A_15] : memref<10000xf32, #tpu.memory_space<vmem_shared>> -> memref<1000xf32, #tpu.memory_space<vmem_shared>>
        tpu.enqueue_dma source(%arg8 : memref<1000xf32, #tpu.memory_space<vmem>>) target(%dma_start3A_16 : memref<1000xf32, #tpu.memory_space<vmem_shared>>) target_semaphore(%run_scoped3A : memref<!tpu.dma_semaphore, #tpu.memory_space<semaphore_mem>>)
        %dma_wait3A = tpu.memref_slice %arg9[%mul3A_15] : memref<10000xf32, #tpu.memory_space<vmem_shared>> -> memref<1000xf32, #tpu.memory_space<vmem_shared>>
        %dma_wait3A_17 = tpu.memref_slice %arg9[%mul3A_15] : memref<10000xf32, #tpu.memory_space<vmem_shared>> -> memref<1000xf32, #tpu.memory_space<vmem_shared>>
        tpu.wait_dma2 semaphore(%run_scoped3A : memref<!tpu.dma_semaphore, #tpu.memory_space<semaphore_mem>>) src(%arg8 : memref<1000xf32, #tpu.memory_space<vmem>>) dst(%dma_wait3A_17 : memref<1000xf32, #tpu.memory_space<vmem_shared>>)
        tpu.yield
      }) : () -> ()
    } else {
    }
    "tpu.region"() ({
      %run_scoped3A = tpu.sem_alloc : memref<!tpu.dma_semaphore, #tpu.memory_space<semaphore_mem>>
      tpu.enqueue_dma source(%arg3 : memref<80xf32, #tpu.memory_space<hbm>>) target(%arg7 : memref<80xf32, #tpu.memory_space<vmem>>) target_semaphore(%run_scoped3A : memref<!tpu.dma_semaphore, #tpu.memory_space<semaphore_mem>>)
      tpu.wait_dma2 semaphore(%run_scoped3A : memref<!tpu.dma_semaphore, #tpu.memory_space<semaphore_mem>>) src(%arg3 : memref<80xf32, #tpu.memory_space<hbm>>) dst(%arg7 : memref<80xf32, #tpu.memory_space<vmem>>)
      tpu.yield
    }) : () -> ()
    "tpu.region"() ({
      %run_scoped3A = tpu.sem_alloc : memref<!tpu.dma_semaphore, #tpu.memory_space<semaphore_mem>>
      %dma_start3A = arith.constant 0 : i32
      %dma_start3A_14 = arith.constant 0 : i32
      %dma_start3A_15 = tpu.memref_slice %arg2[%add3A, %dma_start3A, %dma_start3A_14] : memref<32x125x80xi32, #tpu.memory_space<hbm>> -> memref<1x125x80xi32, #tpu.memory_space<hbm>>
      %dma_start3A_16 = tpu.memref_squeeze %dma_start3A_15 : memref<1x125x80xi32, #tpu.memory_space<hbm>> -> memref<125x80xi32, #tpu.memory_space<hbm>>
      %dma_start3A_17 = arith.constant 0 : i32
      %dma_start3A_18 = arith.constant 0 : i32
      %dma_start3A_19 = tpu.memref_slice %arg2[%add3A, %dma_start3A_17, %dma_start3A_18] : memref<32x125x80xi32, #tpu.memory_space<hbm>> -> memref<1x125x80xi32, #tpu.memory_space<hbm>>
      %dma_start3A_20 = tpu.memref_squeeze %dma_start3A_19 : memref<1x125x80xi32, #tpu.memory_space<hbm>> -> memref<125x80xi32, #tpu.memory_space<hbm>>
      tpu.enqueue_dma source(%dma_start3A_20 : memref<125x80xi32, #tpu.memory_space<hbm>>) target(%arg6 : memref<125x80xi32, #tpu.memory_space<vmem>>) target_semaphore(%run_scoped3A : memref<!tpu.dma_semaphore, #tpu.memory_space<semaphore_mem>>)
      %dma_wait3A = arith.constant 0 : i32
      %dma_wait3A_21 = arith.constant 0 : i32
      %dma_wait3A_22 = tpu.memref_slice %arg2[%add3A, %dma_wait3A, %dma_wait3A_21] : memref<32x125x80xi32, #tpu.memory_space<hbm>> -> memref<1x125x80xi32, #tpu.memory_space<hbm>>
      %dma_wait3A_23 = tpu.memref_squeeze %dma_wait3A_22 : memref<1x125x80xi32, #tpu.memory_space<hbm>> -> memref<125x80xi32, #tpu.memory_space<hbm>>
      %dma_wait3A_24 = arith.constant 0 : i32
      %dma_wait3A_25 = arith.constant 0 : i32
      %dma_wait3A_26 = tpu.memref_slice %arg2[%add3A, %dma_wait3A_24, %dma_wait3A_25] : memref<32x125x80xi32, #tpu.memory_space<hbm>> -> memref<1x125x80xi32, #tpu.memory_space<hbm>>
      %dma_wait3A_27 = tpu.memref_squeeze %dma_wait3A_26 : memref<1x125x80xi32, #tpu.memory_space<hbm>> -> memref<125x80xi32, #tpu.memory_space<hbm>>
      tpu.wait_dma2 semaphore(%run_scoped3A : memref<!tpu.dma_semaphore, #tpu.memory_space<semaphore_mem>>) src(%dma_wait3A_27 : memref<125x80xi32, #tpu.memory_space<hbm>>) dst(%arg6 : memref<125x80xi32, #tpu.memory_space<vmem>>)
      tpu.yield
    }) : () -> ()
    %barrier3A = arith.constant 0 : index
    tpu.barrier barrier_id(%barrier3A)
    %scan3A = arith.constant 0 : i32
    %scan3A_3 = arith.constant 0 : i32
    %scan3A_4 = arith.constant 125 : i32
    %scan3A_5 = arith.addi %scan3A_3, %scan3A_4 : i32
    %scan3A_6 = arith.constant 1 : i32
    scf.for %scan3A_14 = %scan3A_3 to %scan3A_5 step %scan3A_6  : i32 {
      %dma_start3A = arith.constant 0 : i32
      %dma_start3A_15 = tpu.memref_slice %arg6[%scan3A_14, %dma_start3A] : memref<125x80xi32, #tpu.memory_space<vmem>> -> memref<1x80xi32, #tpu.memory_space<vmem>>
      %dma_start3A_16 = tpu.memref_squeeze %dma_start3A_15 : memref<1x80xi32, #tpu.memory_space<vmem>> -> memref<80xi32, #tpu.memory_space<vmem>>
      %dma_start3A_17 = arith.constant 0 : i32
      %dma_start3A_18 = tpu.memref_slice %arg9[%dma_start3A_17] : memref<10000xf32, #tpu.memory_space<vmem_shared>> -> memref<10000xf32, #tpu.memory_space<vmem_shared>>
      tpu.enqueue_indirect_dma source(%arg7 : memref<80xf32, #tpu.memory_space<vmem>>) target(%dma_start3A_18 : memref<10000xf32, #tpu.memory_space<vmem_shared>>) offsets(%dma_start3A_16 : memref<80xi32, #tpu.memory_space<vmem>>) semaphore(%arg10 : memref<!tpu.dma_semaphore, #tpu.memory_space<semaphore_mem>>) {add = true}
      %dma_wait3A = arith.constant 0 : i32
      %dma_wait3A_19 = arith.constant 0 : i32
      %dma_wait3A_20 = tpu.memref_slice %arg6[%dma_wait3A, %dma_wait3A_19] : memref<125x80xi32, #tpu.memory_space<vmem>> -> memref<1x80xi32, #tpu.memory_space<vmem>>
      %dma_wait3A_21 = tpu.memref_squeeze %dma_wait3A_20 : memref<1x80xi32, #tpu.memory_space<vmem>> -> memref<80xi32, #tpu.memory_space<vmem>>
      %dma_wait3A_22 = arith.constant 0 : i32
      %dma_wait3A_23 = tpu.memref_slice %arg9[%dma_wait3A_22] : memref<10000xf32, #tpu.memory_space<vmem_shared>> -> memref<10000xf32, #tpu.memory_space<vmem_shared>>
      tpu.wait_indirect_dma semaphore(%arg10 : memref<!tpu.dma_semaphore, #tpu.memory_space<semaphore_mem>>) src(%arg7 : memref<80xf32, #tpu.memory_space<vmem>>) dst(%dma_wait3A_23 : memref<10000xf32, #tpu.memory_space<vmem_shared>>)
    }
    %scan3A_7 = arith.constant 125 : i32
    %barrier3A_8 = arith.constant 0 : index
    tpu.barrier barrier_id(%barrier3A_8)
    %lt3A_9 = arith.constant 10 : i32
    %lt3A_10 = arith.cmpi slt, %arg1, %lt3A_9 : i32
    %convert_element_type3A_11 = arith.extui %lt3A_10 : i1 to i32
    %cond3A_12 = arith.constant 0 : i32
    %cond3A_13 = arith.cmpi ne, %convert_element_type3A_11, %cond3A_12 : i32
    scf.if %cond3A_13 {
      %mul3A_14 = arith.constant 1000 : i32
      %mul3A_15 = arith.muli %arg1, %mul3A_14 : i32
      "tpu.region"() ({
        %run_scoped3A = tpu.sem_alloc : memref<!tpu.dma_semaphore, #tpu.memory_space<semaphore_mem>>
        %dma_start3A = tpu.memref_slice %arg9[%mul3A_15] : memref<10000xf32, #tpu.memory_space<vmem_shared>> -> memref<1000xf32, #tpu.memory_space<vmem_shared>>
        %dma_start3A_21 = tpu.memref_slice %arg9[%mul3A_15] : memref<10000xf32, #tpu.memory_space<vmem_shared>> -> memref<1000xf32, #tpu.memory_space<vmem_shared>>
        tpu.enqueue_dma source(%dma_start3A_21 : memref<1000xf32, #tpu.memory_space<vmem_shared>>) target(%arg8 : memref<1000xf32, #tpu.memory_space<vmem>>) target_semaphore(%run_scoped3A : memref<!tpu.dma_semaphore, #tpu.memory_space<semaphore_mem>>)
        %dma_wait3A = tpu.memref_slice %arg9[%mul3A_15] : memref<10000xf32, #tpu.memory_space<vmem_shared>> -> memref<1000xf32, #tpu.memory_space<vmem_shared>>
        %dma_wait3A_22 = tpu.memref_slice %arg9[%mul3A_15] : memref<10000xf32, #tpu.memory_space<vmem_shared>> -> memref<1000xf32, #tpu.memory_space<vmem_shared>>
        tpu.wait_dma2 semaphore(%run_scoped3A : memref<!tpu.dma_semaphore, #tpu.memory_space<semaphore_mem>>) src(%dma_wait3A_22 : memref<1000xf32, #tpu.memory_space<vmem_shared>>) dst(%arg8 : memref<1000xf32, #tpu.memory_space<vmem>>)
        tpu.yield
      }) : () -> ()
      %mul3A_16 = arith.constant 10000 : i32
      %mul3A_17 = arith.muli %arg0, %mul3A_16 : i32
      %mul3A_18 = arith.constant 1000 : i32
      %mul3A_19 = arith.muli %arg1, %mul3A_18 : i32
      %add3A_20 = arith.addi %mul3A_17, %mul3A_19 : i32
      "tpu.region"() ({
        %run_scoped3A = tpu.sem_alloc : memref<!tpu.dma_semaphore, #tpu.memory_space<semaphore_mem>>
        %dma_start3A = tpu.memref_slice %arg5[%add3A_20] : memref<20000xf32, #tpu.memory_space<hbm>> -> memref<1000xf32, #tpu.memory_space<hbm>>
        %dma_start3A_21 = tpu.memref_slice %arg5[%add3A_20] : memref<20000xf32, #tpu.memory_space<hbm>> -> memref<1000xf32, #tpu.memory_space<hbm>>
        tpu.enqueue_dma source(%arg8 : memref<1000xf32, #tpu.memory_space<vmem>>) target(%dma_start3A_21 : memref<1000xf32, #tpu.memory_space<hbm>>) target_semaphore(%run_scoped3A : memref<!tpu.dma_semaphore, #tpu.memory_space<semaphore_mem>>)
        %dma_wait3A = tpu.memref_slice %arg5[%add3A_20] : memref<20000xf32, #tpu.memory_space<hbm>> -> memref<1000xf32, #tpu.memory_space<hbm>>
        %dma_wait3A_22 = tpu.memref_slice %arg5[%add3A_20] : memref<20000xf32, #tpu.memory_space<hbm>> -> memref<1000xf32, #tpu.memory_space<hbm>>
        tpu.wait_dma2 semaphore(%run_scoped3A : memref<!tpu.dma_semaphore, #tpu.memory_space<semaphore_mem>>) src(%arg8 : memref<1000xf32, #tpu.memory_space<vmem>>) dst(%dma_wait3A_22 : memref<1000xf32, #tpu.memory_space<hbm>>)
        tpu.yield
      }) : () -> ()
    } else {
    }
    return
  }
}

#map = affine_map<(d0, d1) -> (0, 0)>
#map1 = affine_map<(d0, d1) -> (0)>
#map2 = affine_map<(d0, d1) -> (0, 0, 0)>
module attributes {stable_mosaic.version = 14 : i64} {
  func.func @_agg_kernel(%arg0: i32, %arg1: i32, %arg2: memref<10000x128xf32, #tpu.memory_space<hbm>>, %arg3: memref<320000xi32, #tpu.memory_space<hbm>>, %arg4: memref<32x125x80xi32, #tpu.memory_space<hbm>>, %arg5: memref<80x128xf32, #tpu.memory_space<hbm>>, %arg6: memref<2x10240x128xf32, #tpu.memory_space<hbm>>, %arg7: memref<80xi32, #tpu.memory_space<vmem>>, %arg8: memref<80xi32, #tpu.memory_space<vmem>>, %arg9: memref<80xi32, #tpu.memory_space<vmem>>, %arg10: memref<125x80xi32, #tpu.memory_space<vmem>>, %arg11: memref<80x128xf32, #tpu.memory_space<vmem>>, %arg12: memref<80x128xf32, #tpu.memory_space<vmem>>, %arg13: memref<80x128xf32, #tpu.memory_space<vmem>>, %arg14: memref<10240x128xf32, #tpu.memory_space<vmem_shared>>, %arg15: memref<!tpu.dma_semaphore, #tpu.memory_space<semaphore_mem>>, %arg16: memref<!tpu.dma_semaphore, #tpu.memory_space<semaphore_mem>>, %arg17: memref<!tpu.dma_semaphore, #tpu.memory_space<semaphore_mem>>, %arg18: memref<!tpu.dma_semaphore, #tpu.memory_space<semaphore_mem>>, %arg19: memref<!tpu.dma_semaphore, #tpu.memory_space<semaphore_mem>>, %arg20: memref<!tpu.dma_semaphore, #tpu.memory_space<semaphore_mem>>, %arg21: memref<!tpu.dma_semaphore, #tpu.memory_space<semaphore_mem>>) attributes {dimension_semantics = [#tpu.dimension_semantics<core_parallel>, #tpu.dimension_semantics<subcore_parallel>], iteration_bounds = array<i64: 2, 16>, scalar_prefetch = 0 : i64, scratch_operands = 15 : i64, tpu.core_type = #tpu.core_type<sc_vector_subcore>, window_params = [{transform_indices = #map}, {transform_indices = #map1}, {transform_indices = #map2}, {transform_indices = #map}, {transform_indices = #map2}]} {
    %mul3A = arith.constant 16 : i32
    %mul3A_0 = arith.muli %arg0, %mul3A : i32
    %add3A = arith.addi %mul3A_0, %arg1 : i32
    %mul3A_1 = arith.constant 640 : i32
    %mul3A_2 = arith.muli %arg1, %mul3A_1 : i32
    "tpu.region"() ({
      %run_scoped3A = tpu.sem_alloc : memref<!tpu.dma_semaphore, #tpu.memory_space<semaphore_mem>>
      tpu.enqueue_dma source(%arg5 : memref<80x128xf32, #tpu.memory_space<hbm>>) target(%arg11 : memref<80x128xf32, #tpu.memory_space<vmem>>) target_semaphore(%run_scoped3A : memref<!tpu.dma_semaphore, #tpu.memory_space<semaphore_mem>>)
      tpu.wait_dma2 semaphore(%run_scoped3A : memref<!tpu.dma_semaphore, #tpu.memory_space<semaphore_mem>>) src(%arg5 : memref<80x128xf32, #tpu.memory_space<hbm>>) dst(%arg11 : memref<80x128xf32, #tpu.memory_space<vmem>>)
      tpu.yield
    }) : () -> ()
    %scan3A = arith.constant 0 : i32
    %scan3A_3 = arith.constant 0 : i32
    %scan3A_4 = arith.constant 8 : i32
    %scan3A_5 = arith.addi %scan3A_3, %scan3A_4 : i32
    %scan3A_6 = arith.constant 1 : i32
    scf.for %scan3A_81 = %scan3A_3 to %scan3A_5 step %scan3A_6  : i32 {
      %mul3A_82 = arith.constant 80 : i32
      %mul3A_83 = arith.muli %scan3A_81, %mul3A_82 : i32
      %add3A_84 = arith.addi %mul3A_2, %mul3A_83 : i32
      "tpu.region"() ({
        %run_scoped3A = tpu.sem_alloc : memref<!tpu.dma_semaphore, #tpu.memory_space<semaphore_mem>>
        %dma_start3A_85 = arith.constant 0 : i32
        %dma_start3A_86 = tpu.memref_slice %arg14[%add3A_84, %dma_start3A_85] : memref<10240x128xf32, #tpu.memory_space<vmem_shared>> -> memref<80x128xf32, #tpu.memory_space<vmem_shared>>
        %dma_start3A_87 = arith.constant 0 : i32
        %dma_start3A_88 = tpu.memref_slice %arg14[%add3A_84, %dma_start3A_87] : memref<10240x128xf32, #tpu.memory_space<vmem_shared>> -> memref<80x128xf32, #tpu.memory_space<vmem_shared>>
        tpu.enqueue_dma source(%arg11 : memref<80x128xf32, #tpu.memory_space<vmem>>) target(%dma_start3A_88 : memref<80x128xf32, #tpu.memory_space<vmem_shared>>) target_semaphore(%run_scoped3A : memref<!tpu.dma_semaphore, #tpu.memory_space<semaphore_mem>>)
        %dma_wait3A_89 = arith.constant 0 : i32
        %dma_wait3A_90 = tpu.memref_slice %arg14[%add3A_84, %dma_wait3A_89] : memref<10240x128xf32, #tpu.memory_space<vmem_shared>> -> memref<80x128xf32, #tpu.memory_space<vmem_shared>>
        %dma_wait3A_91 = arith.constant 0 : i32
        %dma_wait3A_92 = tpu.memref_slice %arg14[%add3A_84, %dma_wait3A_91] : memref<10240x128xf32, #tpu.memory_space<vmem_shared>> -> memref<80x128xf32, #tpu.memory_space<vmem_shared>>
        tpu.wait_dma2 semaphore(%run_scoped3A : memref<!tpu.dma_semaphore, #tpu.memory_space<semaphore_mem>>) src(%arg11 : memref<80x128xf32, #tpu.memory_space<vmem>>) dst(%dma_wait3A_92 : memref<80x128xf32, #tpu.memory_space<vmem_shared>>)
        tpu.yield
      }) : () -> ()
    }
    %scan3A_7 = arith.constant 8 : i32
    "tpu.region"() ({
      %run_scoped3A = tpu.sem_alloc : memref<!tpu.dma_semaphore, #tpu.memory_space<semaphore_mem>>
      %dma_start3A_81 = arith.constant 0 : i32
      %dma_start3A_82 = arith.constant 0 : i32
      %dma_start3A_83 = tpu.memref_slice %arg4[%add3A, %dma_start3A_81, %dma_start3A_82] : memref<32x125x80xi32, #tpu.memory_space<hbm>> -> memref<1x125x80xi32, #tpu.memory_space<hbm>>
      %dma_start3A_84 = tpu.memref_squeeze %dma_start3A_83 : memref<1x125x80xi32, #tpu.memory_space<hbm>> -> memref<125x80xi32, #tpu.memory_space<hbm>>
      %dma_start3A_85 = arith.constant 0 : i32
      %dma_start3A_86 = arith.constant 0 : i32
      %dma_start3A_87 = tpu.memref_slice %arg4[%add3A, %dma_start3A_85, %dma_start3A_86] : memref<32x125x80xi32, #tpu.memory_space<hbm>> -> memref<1x125x80xi32, #tpu.memory_space<hbm>>
      %dma_start3A_88 = tpu.memref_squeeze %dma_start3A_87 : memref<1x125x80xi32, #tpu.memory_space<hbm>> -> memref<125x80xi32, #tpu.memory_space<hbm>>
      tpu.enqueue_dma source(%dma_start3A_88 : memref<125x80xi32, #tpu.memory_space<hbm>>) target(%arg10 : memref<125x80xi32, #tpu.memory_space<vmem>>) target_semaphore(%run_scoped3A : memref<!tpu.dma_semaphore, #tpu.memory_space<semaphore_mem>>)
      %dma_wait3A_89 = arith.constant 0 : i32
      %dma_wait3A_90 = arith.constant 0 : i32
      %dma_wait3A_91 = tpu.memref_slice %arg4[%add3A, %dma_wait3A_89, %dma_wait3A_90] : memref<32x125x80xi32, #tpu.memory_space<hbm>> -> memref<1x125x80xi32, #tpu.memory_space<hbm>>
      %dma_wait3A_92 = tpu.memref_squeeze %dma_wait3A_91 : memref<1x125x80xi32, #tpu.memory_space<hbm>> -> memref<125x80xi32, #tpu.memory_space<hbm>>
      %dma_wait3A_93 = arith.constant 0 : i32
      %dma_wait3A_94 = arith.constant 0 : i32
      %dma_wait3A_95 = tpu.memref_slice %arg4[%add3A, %dma_wait3A_93, %dma_wait3A_94] : memref<32x125x80xi32, #tpu.memory_space<hbm>> -> memref<1x125x80xi32, #tpu.memory_space<hbm>>
      %dma_wait3A_96 = tpu.memref_squeeze %dma_wait3A_95 : memref<1x125x80xi32, #tpu.memory_space<hbm>> -> memref<125x80xi32, #tpu.memory_space<hbm>>
      tpu.wait_dma2 semaphore(%run_scoped3A : memref<!tpu.dma_semaphore, #tpu.memory_space<semaphore_mem>>) src(%dma_wait3A_96 : memref<125x80xi32, #tpu.memory_space<hbm>>) dst(%arg10 : memref<125x80xi32, #tpu.memory_space<vmem>>)
      tpu.yield
    }) : () -> ()
    %mul3A_8 = arith.constant 10000 : i32
    %mul3A_9 = arith.muli %add3A, %mul3A_8 : i32
    %add3A_10 = arith.constant 0 : i32
    %add3A_11 = arith.addi %mul3A_9, %add3A_10 : i32
    %dma_start3A = tpu.memref_slice %arg3[%add3A_11] : memref<320000xi32, #tpu.memory_space<hbm>> -> memref<80xi32, #tpu.memory_space<hbm>>
    %dma_start3A_12 = tpu.memref_slice %arg3[%add3A_11] : memref<320000xi32, #tpu.memory_space<hbm>> -> memref<80xi32, #tpu.memory_space<hbm>>
    tpu.enqueue_dma source(%dma_start3A_12 : memref<80xi32, #tpu.memory_space<hbm>>) target(%arg7 : memref<80xi32, #tpu.memory_space<vmem>>) target_semaphore(%arg18 : memref<!tpu.dma_semaphore, #tpu.memory_space<semaphore_mem>>)
    %add3A_13 = arith.constant 80 : i32
    %add3A_14 = arith.addi %mul3A_9, %add3A_13 : i32
    %dma_start3A_15 = tpu.memref_slice %arg3[%add3A_14] : memref<320000xi32, #tpu.memory_space<hbm>> -> memref<80xi32, #tpu.memory_space<hbm>>
    %dma_start3A_16 = tpu.memref_slice %arg3[%add3A_14] : memref<320000xi32, #tpu.memory_space<hbm>> -> memref<80xi32, #tpu.memory_space<hbm>>
    tpu.enqueue_dma source(%dma_start3A_16 : memref<80xi32, #tpu.memory_space<hbm>>) target(%arg8 : memref<80xi32, #tpu.memory_space<vmem>>) target_semaphore(%arg19 : memref<!tpu.dma_semaphore, #tpu.memory_space<semaphore_mem>>)
    %add3A_17 = arith.constant 160 : i32
    %add3A_18 = arith.addi %mul3A_9, %add3A_17 : i32
    %dma_start3A_19 = tpu.memref_slice %arg3[%add3A_18] : memref<320000xi32, #tpu.memory_space<hbm>> -> memref<80xi32, #tpu.memory_space<hbm>>
    %dma_start3A_20 = tpu.memref_slice %arg3[%add3A_18] : memref<320000xi32, #tpu.memory_space<hbm>> -> memref<80xi32, #tpu.memory_space<hbm>>
    tpu.enqueue_dma source(%dma_start3A_20 : memref<80xi32, #tpu.memory_space<hbm>>) target(%arg9 : memref<80xi32, #tpu.memory_space<vmem>>) target_semaphore(%arg20 : memref<!tpu.dma_semaphore, #tpu.memory_space<semaphore_mem>>)
    %dma_wait3A = arith.constant 0 : i32
    %dma_wait3A_21 = tpu.memref_slice %arg3[%dma_wait3A] : memref<320000xi32, #tpu.memory_space<hbm>> -> memref<80xi32, #tpu.memory_space<hbm>>
    %dma_wait3A_22 = arith.constant 0 : i32
    %dma_wait3A_23 = tpu.memref_slice %arg3[%dma_wait3A_22] : memref<320000xi32, #tpu.memory_space<hbm>> -> memref<80xi32, #tpu.memory_space<hbm>>
    tpu.wait_dma2 semaphore(%arg18 : memref<!tpu.dma_semaphore, #tpu.memory_space<semaphore_mem>>) src(%dma_wait3A_23 : memref<80xi32, #tpu.memory_space<hbm>>) dst(%arg7 : memref<80xi32, #tpu.memory_space<vmem>>)
    %dma_start3A_24 = arith.constant 0 : i32
    %dma_start3A_25 = arith.constant 0 : i32
    %dma_start3A_26 = tpu.memref_slice %arg2[%dma_start3A_24, %dma_start3A_25] : memref<10000x128xf32, #tpu.memory_space<hbm>> -> memref<10000x128xf32, #tpu.memory_space<hbm>>
    tpu.enqueue_indirect_dma source(%dma_start3A_26 : memref<10000x128xf32, #tpu.memory_space<hbm>>) target(%arg11 : memref<80x128xf32, #tpu.memory_space<vmem>>) offsets(%arg7 : memref<80xi32, #tpu.memory_space<vmem>>) semaphore(%arg15 : memref<!tpu.dma_semaphore, #tpu.memory_space<semaphore_mem>>)
    %dma_wait3A_27 = arith.constant 0 : i32
    %dma_wait3A_28 = tpu.memref_slice %arg3[%dma_wait3A_27] : memref<320000xi32, #tpu.memory_space<hbm>> -> memref<80xi32, #tpu.memory_space<hbm>>
    %dma_wait3A_29 = arith.constant 0 : i32
    %dma_wait3A_30 = tpu.memref_slice %arg3[%dma_wait3A_29] : memref<320000xi32, #tpu.memory_space<hbm>> -> memref<80xi32, #tpu.memory_space<hbm>>
    tpu.wait_dma2 semaphore(%arg19 : memref<!tpu.dma_semaphore, #tpu.memory_space<semaphore_mem>>) src(%dma_wait3A_30 : memref<80xi32, #tpu.memory_space<hbm>>) dst(%arg8 : memref<80xi32, #tpu.memory_space<vmem>>)
    %dma_start3A_31 = arith.constant 0 : i32
    %dma_start3A_32 = arith.constant 0 : i32
    %dma_start3A_33 = tpu.memref_slice %arg2[%dma_start3A_31, %dma_start3A_32] : memref<10000x128xf32, #tpu.memory_space<hbm>> -> memref<10000x128xf32, #tpu.memory_space<hbm>>
    tpu.enqueue_indirect_dma source(%dma_start3A_33 : memref<10000x128xf32, #tpu.memory_space<hbm>>) target(%arg12 : memref<80x128xf32, #tpu.memory_space<vmem>>) offsets(%arg8 : memref<80xi32, #tpu.memory_space<vmem>>) semaphore(%arg16 : memref<!tpu.dma_semaphore, #tpu.memory_space<semaphore_mem>>)
    %barrier3A = arith.constant 0 : index
    tpu.barrier barrier_id(%barrier3A)
    %scan3A_34 = arith.constant 0 : i32
    %scan3A_35 = arith.constant 0 : i32
    %scan3A_36 = arith.constant 41 : i32
    %scan3A_37 = arith.addi %scan3A_35, %scan3A_36 : i32
    %scan3A_38 = arith.constant 1 : i32
    scf.for %scan3A_81 = %scan3A_35 to %scan3A_37 step %scan3A_38  : i32 {
      %mul3A_82 = arith.constant 3 : i32
      %mul3A_83 = arith.muli %mul3A_82, %scan3A_81 : i32
      %add3A_84 = arith.constant 0 : i32
      %add3A_85 = arith.addi %mul3A_83, %add3A_84 : i32
      %dma_wait3A_86 = arith.constant 0 : i32
      %dma_wait3A_87 = arith.constant 0 : i32
      %dma_wait3A_88 = tpu.memref_slice %arg2[%dma_wait3A_86, %dma_wait3A_87] : memref<10000x128xf32, #tpu.memory_space<hbm>> -> memref<10000x128xf32, #tpu.memory_space<hbm>>
      tpu.wait_indirect_dma semaphore(%arg15 : memref<!tpu.dma_semaphore, #tpu.memory_space<semaphore_mem>>) src(%dma_wait3A_88 : memref<10000x128xf32, #tpu.memory_space<hbm>>) dst(%arg11 : memref<80x128xf32, #tpu.memory_space<vmem>>)
      %add3A_89 = arith.constant 3 : i32
      %add3A_90 = arith.addi %add3A_85, %add3A_89 : i32
      %lt3A = arith.constant 125 : i32
      %lt3A_91 = arith.cmpi slt, %add3A_90, %lt3A : i32
      %convert_element_type3A = arith.extui %lt3A_91 : i1 to i32
      %cond3A = arith.constant 0 : i32
      %cond3A_92 = arith.cmpi ne, %convert_element_type3A, %cond3A : i32
      scf.if %cond3A_92 {
        %add3A_181 = arith.constant 3 : i32
        %add3A_182 = arith.addi %add3A_85, %add3A_181 : i32
        %mul3A_183 = arith.constant 80 : i32
        %mul3A_184 = arith.muli %add3A_182, %mul3A_183 : i32
        %add3A_185 = arith.addi %mul3A_9, %mul3A_184 : i32
        %dma_start3A_186 = tpu.memref_slice %arg3[%add3A_185] : memref<320000xi32, #tpu.memory_space<hbm>> -> memref<80xi32, #tpu.memory_space<hbm>>
        %dma_start3A_187 = tpu.memref_slice %arg3[%add3A_185] : memref<320000xi32, #tpu.memory_space<hbm>> -> memref<80xi32, #tpu.memory_space<hbm>>
        tpu.enqueue_dma source(%dma_start3A_187 : memref<80xi32, #tpu.memory_space<hbm>>) target(%arg7 : memref<80xi32, #tpu.memory_space<vmem>>) target_semaphore(%arg18 : memref<!tpu.dma_semaphore, #tpu.memory_space<semaphore_mem>>)
      } else {
      }
      %dma_start3A_93 = arith.constant 0 : i32
      %dma_start3A_94 = tpu.memref_slice %arg10[%add3A_85, %dma_start3A_93] : memref<125x80xi32, #tpu.memory_space<vmem>> -> memref<1x80xi32, #tpu.memory_space<vmem>>
      %dma_start3A_95 = tpu.memref_squeeze %dma_start3A_94 : memref<1x80xi32, #tpu.memory_space<vmem>> -> memref<80xi32, #tpu.memory_space<vmem>>
      %dma_start3A_96 = arith.constant 0 : i32
      %dma_start3A_97 = arith.constant 0 : i32
      %dma_start3A_98 = tpu.memref_slice %arg14[%dma_start3A_96, %dma_start3A_97] : memref<10240x128xf32, #tpu.memory_space<vmem_shared>> -> memref<10240x128xf32, #tpu.memory_space<vmem_shared>>
      tpu.enqueue_indirect_dma source(%arg11 : memref<80x128xf32, #tpu.memory_space<vmem>>) target(%dma_start3A_98 : memref<10240x128xf32, #tpu.memory_space<vmem_shared>>) offsets(%dma_start3A_95 : memref<80xi32, #tpu.memory_space<vmem>>) semaphore(%arg21 : memref<!tpu.dma_semaphore, #tpu.memory_space<semaphore_mem>>) {add = true}
      %dma_wait3A_99 = arith.constant 0 : i32
      %dma_wait3A_100 = arith.constant 0 : i32
      %dma_wait3A_101 = tpu.memref_slice %arg10[%dma_wait3A_99, %dma_wait3A_100] : memref<125x80xi32, #tpu.memory_space<vmem>> -> memref<1x80xi32, #tpu.memory_space<vmem>>
      %dma_wait3A_102 = tpu.memref_squeeze %dma_wait3A_101 : memref<1x80xi32, #tpu.memory_space<vmem>> -> memref<80xi32, #tpu.memory_space<vmem>>
      %dma_wait3A_103 = arith.constant 0 : i32
      %dma_wait3A_104 = arith.constant 0 : i32
      %dma_wait3A_105 = tpu.memref_slice %arg14[%dma_wait3A_103, %dma_wait3A_104] : memref<10240x128xf32, #tpu.memory_space<vmem_shared>> -> memref<10240x128xf32, #tpu.memory_space<vmem_shared>>
      tpu.wait_indirect_dma semaphore(%arg21 : memref<!tpu.dma_semaphore, #tpu.memory_space<semaphore_mem>>) src(%arg11 : memref<80x128xf32, #tpu.memory_space<vmem>>) dst(%dma_wait3A_105 : memref<10240x128xf32, #tpu.memory_space<vmem_shared>>)
      %add3A_106 = arith.constant 2 : i32
      %add3A_107 = arith.addi %add3A_85, %add3A_106 : i32
      %lt3A_108 = arith.constant 125 : i32
      %lt3A_109 = arith.cmpi slt, %add3A_107, %lt3A_108 : i32
      %convert_element_type3A_110 = arith.extui %lt3A_109 : i1 to i32
      %cond3A_111 = arith.constant 0 : i32
      %cond3A_112 = arith.cmpi ne, %convert_element_type3A_110, %cond3A_111 : i32
      scf.if %cond3A_112 {
        %dma_wait3A_181 = arith.constant 0 : i32
        %dma_wait3A_182 = tpu.memref_slice %arg3[%dma_wait3A_181] : memref<320000xi32, #tpu.memory_space<hbm>> -> memref<80xi32, #tpu.memory_space<hbm>>
        %dma_wait3A_183 = arith.constant 0 : i32
        %dma_wait3A_184 = tpu.memref_slice %arg3[%dma_wait3A_183] : memref<320000xi32, #tpu.memory_space<hbm>> -> memref<80xi32, #tpu.memory_space<hbm>>
        tpu.wait_dma2 semaphore(%arg20 : memref<!tpu.dma_semaphore, #tpu.memory_space<semaphore_mem>>) src(%dma_wait3A_184 : memref<80xi32, #tpu.memory_space<hbm>>) dst(%arg9 : memref<80xi32, #tpu.memory_space<vmem>>)
        %dma_start3A_185 = arith.constant 0 : i32
        %dma_start3A_186 = arith.constant 0 : i32
        %dma_start3A_187 = tpu.memref_slice %arg2[%dma_start3A_185, %dma_start3A_186] : memref<10000x128xf32, #tpu.memory_space<hbm>> -> memref<10000x128xf32, #tpu.memory_space<hbm>>
        tpu.enqueue_indirect_dma source(%dma_start3A_187 : memref<10000x128xf32, #tpu.memory_space<hbm>>) target(%arg13 : memref<80x128xf32, #tpu.memory_space<vmem>>) offsets(%arg9 : memref<80xi32, #tpu.memory_space<vmem>>) semaphore(%arg17 : memref<!tpu.dma_semaphore, #tpu.memory_space<semaphore_mem>>)
      } else {
      }
      %mul3A_113 = arith.constant 3 : i32
      %mul3A_114 = arith.muli %mul3A_113, %scan3A_81 : i32
      %add3A_115 = arith.constant 1 : i32
      %add3A_116 = arith.addi %mul3A_114, %add3A_115 : i32
      %dma_wait3A_117 = arith.constant 0 : i32
      %dma_wait3A_118 = arith.constant 0 : i32
      %dma_wait3A_119 = tpu.memref_slice %arg2[%dma_wait3A_117, %dma_wait3A_118] : memref<10000x128xf32, #tpu.memory_space<hbm>> -> memref<10000x128xf32, #tpu.memory_space<hbm>>
      tpu.wait_indirect_dma semaphore(%arg16 : memref<!tpu.dma_semaphore, #tpu.memory_space<semaphore_mem>>) src(%dma_wait3A_119 : memref<10000x128xf32, #tpu.memory_space<hbm>>) dst(%arg12 : memref<80x128xf32, #tpu.memory_space<vmem>>)
      %add3A_120 = arith.constant 3 : i32
      %add3A_121 = arith.addi %add3A_116, %add3A_120 : i32
      %lt3A_122 = arith.constant 125 : i32
      %lt3A_123 = arith.cmpi slt, %add3A_121, %lt3A_122 : i32
      %convert_element_type3A_124 = arith.extui %lt3A_123 : i1 to i32
      %cond3A_125 = arith.constant 0 : i32
      %cond3A_126 = arith.cmpi ne, %convert_element_type3A_124, %cond3A_125 : i32
      scf.if %cond3A_126 {
        %add3A_181 = arith.constant 3 : i32
        %add3A_182 = arith.addi %add3A_116, %add3A_181 : i32
        %mul3A_183 = arith.constant 80 : i32
        %mul3A_184 = arith.muli %add3A_182, %mul3A_183 : i32
        %add3A_185 = arith.addi %mul3A_9, %mul3A_184 : i32
        %dma_start3A_186 = tpu.memref_slice %arg3[%add3A_185] : memref<320000xi32, #tpu.memory_space<hbm>> -> memref<80xi32, #tpu.memory_space<hbm>>
        %dma_start3A_187 = tpu.memref_slice %arg3[%add3A_185] : memref<320000xi32, #tpu.memory_space<hbm>> -> memref<80xi32, #tpu.memory_space<hbm>>
        tpu.enqueue_dma source(%dma_start3A_187 : memref<80xi32, #tpu.memory_space<hbm>>) target(%arg8 : memref<80xi32, #tpu.memory_space<vmem>>) target_semaphore(%arg19 : memref<!tpu.dma_semaphore, #tpu.memory_space<semaphore_mem>>)
      } else {
      }
      %dma_start3A_127 = arith.constant 0 : i32
      %dma_start3A_128 = tpu.memref_slice %arg10[%add3A_116, %dma_start3A_127] : memref<125x80xi32, #tpu.memory_space<vmem>> -> memref<1x80xi32, #tpu.memory_space<vmem>>
      %dma_start3A_129 = tpu.memref_squeeze %dma_start3A_128 : memref<1x80xi32, #tpu.memory_space<vmem>> -> memref<80xi32, #tpu.memory_space<vmem>>
      %dma_start3A_130 = arith.constant 0 : i32
      %dma_start3A_131 = arith.constant 0 : i32
      %dma_start3A_132 = tpu.memref_slice %arg14[%dma_start3A_130, %dma_start3A_131] : memref<10240x128xf32, #tpu.memory_space<vmem_shared>> -> memref<10240x128xf32, #tpu.memory_space<vmem_shared>>
      tpu.enqueue_indirect_dma source(%arg12 : memref<80x128xf32, #tpu.memory_space<vmem>>) target(%dma_start3A_132 : memref<10240x128xf32, #tpu.memory_space<vmem_shared>>) offsets(%dma_start3A_129 : memref<80xi32, #tpu.memory_space<vmem>>) semaphore(%arg21 : memref<!tpu.dma_semaphore, #tpu.memory_space<semaphore_mem>>) {add = true}
      %dma_wait3A_133 = arith.constant 0 : i32
      %dma_wait3A_134 = arith.constant 0 : i32
      %dma_wait3A_135 = tpu.memref_slice %arg10[%dma_wait3A_133, %dma_wait3A_134] : memref<125x80xi32, #tpu.memory_space<vmem>> -> memref<1x80xi32, #tpu.memory_space<vmem>>
      %dma_wait3A_136 = tpu.memref_squeeze %dma_wait3A_135 : memref<1x80xi32, #tpu.memory_space<vmem>> -> memref<80xi32, #tpu.memory_space<vmem>>
      %dma_wait3A_137 = arith.constant 0 : i32
      %dma_wait3A_138 = arith.constant 0 : i32
      %dma_wait3A_139 = tpu.memref_slice %arg14[%dma_wait3A_137, %dma_wait3A_138] : memref<10240x128xf32, #tpu.memory_space<vmem_shared>> -> memref<10240x128xf32, #tpu.memory_space<vmem_shared>>
      tpu.wait_indirect_dma semaphore(%arg21 : memref<!tpu.dma_semaphore, #tpu.memory_space<semaphore_mem>>) src(%arg12 : memref<80x128xf32, #tpu.memory_space<vmem>>) dst(%dma_wait3A_139 : memref<10240x128xf32, #tpu.memory_space<vmem_shared>>)
      %add3A_140 = arith.constant 2 : i32
      %add3A_141 = arith.addi %add3A_116, %add3A_140 : i32
      %lt3A_142 = arith.constant 125 : i32
      %lt3A_143 = arith.cmpi slt, %add3A_141, %lt3A_142 : i32
      %convert_element_type3A_144 = arith.extui %lt3A_143 : i1 to i32
      %cond3A_145 = arith.constant 0 : i32
      %cond3A_146 = arith.cmpi ne, %convert_element_type3A_144, %cond3A_145 : i32
      scf.if %cond3A_146 {
        %dma_wait3A_181 = arith.constant 0 : i32
        %dma_wait3A_182 = tpu.memref_slice %arg3[%dma_wait3A_181] : memref<320000xi32, #tpu.memory_space<hbm>> -> memref<80xi32, #tpu.memory_space<hbm>>
        %dma_wait3A_183 = arith.constant 0 : i32
        %dma_wait3A_184 = tpu.memref_slice %arg3[%dma_wait3A_183] : memref<320000xi32, #tpu.memory_space<hbm>> -> memref<80xi32, #tpu.memory_space<hbm>>
        tpu.wait_dma2 semaphore(%arg18 : memref<!tpu.dma_semaphore, #tpu.memory_space<semaphore_mem>>) src(%dma_wait3A_184 : memref<80xi32, #tpu.memory_space<hbm>>) dst(%arg7 : memref<80xi32, #tpu.memory_space<vmem>>)
        %dma_start3A_185 = arith.constant 0 : i32
        %dma_start3A_186 = arith.constant 0 : i32
        %dma_start3A_187 = tpu.memref_slice %arg2[%dma_start3A_185, %dma_start3A_186] : memref<10000x128xf32, #tpu.memory_space<hbm>> -> memref<10000x128xf32, #tpu.memory_space<hbm>>
        tpu.enqueue_indirect_dma source(%dma_start3A_187 : memref<10000x128xf32, #tpu.memory_space<hbm>>) target(%arg11 : memref<80x128xf32, #tpu.memory_space<vmem>>) offsets(%arg7 : memref<80xi32, #tpu.memory_space<vmem>>) semaphore(%arg15 : memref<!tpu.dma_semaphore, #tpu.memory_space<semaphore_mem>>)
      } else {
      }
      %mul3A_147 = arith.constant 3 : i32
      %mul3A_148 = arith.muli %mul3A_147, %scan3A_81 : i32
      %add3A_149 = arith.constant 2 : i32
      %add3A_150 = arith.addi %mul3A_148, %add3A_149 : i32
      %dma_wait3A_151 = arith.constant 0 : i32
      %dma_wait3A_152 = arith.constant 0 : i32
      %dma_wait3A_153 = tpu.memref_slice %arg2[%dma_wait3A_151, %dma_wait3A_152] : memref<10000x128xf32, #tpu.memory_space<hbm>> -> memref<10000x128xf32, #tpu.memory_space<hbm>>
      tpu.wait_indirect_dma semaphore(%arg17 : memref<!tpu.dma_semaphore, #tpu.memory_space<semaphore_mem>>) src(%dma_wait3A_153 : memref<10000x128xf32, #tpu.memory_space<hbm>>) dst(%arg13 : memref<80x128xf32, #tpu.memory_space<vmem>>)
      %add3A_154 = arith.constant 3 : i32
      %add3A_155 = arith.addi %add3A_150, %add3A_154 : i32
      %lt3A_156 = arith.constant 125 : i32
      %lt3A_157 = arith.cmpi slt, %add3A_155, %lt3A_156 : i32
      %convert_element_type3A_158 = arith.extui %lt3A_157 : i1 to i32
      %cond3A_159 = arith.constant 0 : i32
      %cond3A_160 = arith.cmpi ne, %convert_element_type3A_158, %cond3A_159 : i32
      scf.if %cond3A_160 {
        %add3A_181 = arith.constant 3 : i32
        %add3A_182 = arith.addi %add3A_150, %add3A_181 : i32
        %mul3A_183 = arith.constant 80 : i32
        %mul3A_184 = arith.muli %add3A_182, %mul3A_183 : i32
        %add3A_185 = arith.addi %mul3A_9, %mul3A_184 : i32
        %dma_start3A_186 = tpu.memref_slice %arg3[%add3A_185] : memref<320000xi32, #tpu.memory_space<hbm>> -> memref<80xi32, #tpu.memory_space<hbm>>
        %dma_start3A_187 = tpu.memref_slice %arg3[%add3A_185] : memref<320000xi32, #tpu.memory_space<hbm>> -> memref<80xi32, #tpu.memory_space<hbm>>
        tpu.enqueue_dma source(%dma_start3A_187 : memref<80xi32, #tpu.memory_space<hbm>>) target(%arg9 : memref<80xi32, #tpu.memory_space<vmem>>) target_semaphore(%arg20 : memref<!tpu.dma_semaphore, #tpu.memory_space<semaphore_mem>>)
      } else {
      }
      %dma_start3A_161 = arith.constant 0 : i32
      %dma_start3A_162 = tpu.memref_slice %arg10[%add3A_150, %dma_start3A_161] : memref<125x80xi32, #tpu.memory_space<vmem>> -> memref<1x80xi32, #tpu.memory_space<vmem>>
      %dma_start3A_163 = tpu.memref_squeeze %dma_start3A_162 : memref<1x80xi32, #tpu.memory_space<vmem>> -> memref<80xi32, #tpu.memory_space<vmem>>
      %dma_start3A_164 = arith.constant 0 : i32
      %dma_start3A_165 = arith.constant 0 : i32
      %dma_start3A_166 = tpu.memref_slice %arg14[%dma_start3A_164, %dma_start3A_165] : memref<10240x128xf32, #tpu.memory_space<vmem_shared>> -> memref<10240x128xf32, #tpu.memory_space<vmem_shared>>
      tpu.enqueue_indirect_dma source(%arg13 : memref<80x128xf32, #tpu.memory_space<vmem>>) target(%dma_start3A_166 : memref<10240x128xf32, #tpu.memory_space<vmem_shared>>) offsets(%dma_start3A_163 : memref<80xi32, #tpu.memory_space<vmem>>) semaphore(%arg21 : memref<!tpu.dma_semaphore, #tpu.memory_space<semaphore_mem>>) {add = true}
      %dma_wait3A_167 = arith.constant 0 : i32
      %dma_wait3A_168 = arith.constant 0 : i32
      %dma_wait3A_169 = tpu.memref_slice %arg10[%dma_wait3A_167, %dma_wait3A_168] : memref<125x80xi32, #tpu.memory_space<vmem>> -> memref<1x80xi32, #tpu.memory_space<vmem>>
      %dma_wait3A_170 = tpu.memref_squeeze %dma_wait3A_169 : memref<1x80xi32, #tpu.memory_space<vmem>> -> memref<80xi32, #tpu.memory_space<vmem>>
      %dma_wait3A_171 = arith.constant 0 : i32
      %dma_wait3A_172 = arith.constant 0 : i32
      %dma_wait3A_173 = tpu.memref_slice %arg14[%dma_wait3A_171, %dma_wait3A_172] : memref<10240x128xf32, #tpu.memory_space<vmem_shared>> -> memref<10240x128xf32, #tpu.memory_space<vmem_shared>>
      tpu.wait_indirect_dma semaphore(%arg21 : memref<!tpu.dma_semaphore, #tpu.memory_space<semaphore_mem>>) src(%arg13 : memref<80x128xf32, #tpu.memory_space<vmem>>) dst(%dma_wait3A_173 : memref<10240x128xf32, #tpu.memory_space<vmem_shared>>)
      %add3A_174 = arith.constant 2 : i32
      %add3A_175 = arith.addi %add3A_150, %add3A_174 : i32
      %lt3A_176 = arith.constant 125 : i32
      %lt3A_177 = arith.cmpi slt, %add3A_175, %lt3A_176 : i32
      %convert_element_type3A_178 = arith.extui %lt3A_177 : i1 to i32
      %cond3A_179 = arith.constant 0 : i32
      %cond3A_180 = arith.cmpi ne, %convert_element_type3A_178, %cond3A_179 : i32
      scf.if %cond3A_180 {
        %dma_wait3A_181 = arith.constant 0 : i32
        %dma_wait3A_182 = tpu.memref_slice %arg3[%dma_wait3A_181] : memref<320000xi32, #tpu.memory_space<hbm>> -> memref<80xi32, #tpu.memory_space<hbm>>
        %dma_wait3A_183 = arith.constant 0 : i32
        %dma_wait3A_184 = tpu.memref_slice %arg3[%dma_wait3A_183] : memref<320000xi32, #tpu.memory_space<hbm>> -> memref<80xi32, #tpu.memory_space<hbm>>
        tpu.wait_dma2 semaphore(%arg19 : memref<!tpu.dma_semaphore, #tpu.memory_space<semaphore_mem>>) src(%dma_wait3A_184 : memref<80xi32, #tpu.memory_space<hbm>>) dst(%arg8 : memref<80xi32, #tpu.memory_space<vmem>>)
        %dma_start3A_185 = arith.constant 0 : i32
        %dma_start3A_186 = arith.constant 0 : i32
        %dma_start3A_187 = tpu.memref_slice %arg2[%dma_start3A_185, %dma_start3A_186] : memref<10000x128xf32, #tpu.memory_space<hbm>> -> memref<10000x128xf32, #tpu.memory_space<hbm>>
        tpu.enqueue_indirect_dma source(%dma_start3A_187 : memref<10000x128xf32, #tpu.memory_space<hbm>>) target(%arg12 : memref<80x128xf32, #tpu.memory_space<vmem>>) offsets(%arg8 : memref<80xi32, #tpu.memory_space<vmem>>) semaphore(%arg16 : memref<!tpu.dma_semaphore, #tpu.memory_space<semaphore_mem>>)
      } else {
      }
    }
    %scan3A_39 = arith.constant 41 : i32
    %dma_wait3A_40 = arith.constant 0 : i32
    %dma_wait3A_41 = arith.constant 0 : i32
    %dma_wait3A_42 = tpu.memref_slice %arg2[%dma_wait3A_40, %dma_wait3A_41] : memref<10000x128xf32, #tpu.memory_space<hbm>> -> memref<10000x128xf32, #tpu.memory_space<hbm>>
    tpu.wait_indirect_dma semaphore(%arg15 : memref<!tpu.dma_semaphore, #tpu.memory_space<semaphore_mem>>) src(%dma_wait3A_42 : memref<10000x128xf32, #tpu.memory_space<hbm>>) dst(%arg11 : memref<80x128xf32, #tpu.memory_space<vmem>>)
    %dma_start3A_43 = arith.constant 123 : i32
    %dma_start3A_44 = arith.constant 0 : i32
    %dma_start3A_45 = tpu.memref_slice %arg10[%dma_start3A_43, %dma_start3A_44] : memref<125x80xi32, #tpu.memory_space<vmem>> -> memref<1x80xi32, #tpu.memory_space<vmem>>
    %dma_start3A_46 = tpu.memref_squeeze %dma_start3A_45 : memref<1x80xi32, #tpu.memory_space<vmem>> -> memref<80xi32, #tpu.memory_space<vmem>>
    %dma_start3A_47 = arith.constant 0 : i32
    %dma_start3A_48 = arith.constant 0 : i32
    %dma_start3A_49 = tpu.memref_slice %arg14[%dma_start3A_47, %dma_start3A_48] : memref<10240x128xf32, #tpu.memory_space<vmem_shared>> -> memref<10240x128xf32, #tpu.memory_space<vmem_shared>>
    tpu.enqueue_indirect_dma source(%arg11 : memref<80x128xf32, #tpu.memory_space<vmem>>) target(%dma_start3A_49 : memref<10240x128xf32, #tpu.memory_space<vmem_shared>>) offsets(%dma_start3A_46 : memref<80xi32, #tpu.memory_space<vmem>>) semaphore(%arg21 : memref<!tpu.dma_semaphore, #tpu.memory_space<semaphore_mem>>) {add = true}
    %dma_wait3A_50 = arith.constant 0 : i32
    %dma_wait3A_51 = arith.constant 0 : i32
    %dma_wait3A_52 = tpu.memref_slice %arg10[%dma_wait3A_50, %dma_wait3A_51] : memref<125x80xi32, #tpu.memory_space<vmem>> -> memref<1x80xi32, #tpu.memory_space<vmem>>
    %dma_wait3A_53 = tpu.memref_squeeze %dma_wait3A_52 : memref<1x80xi32, #tpu.memory_space<vmem>> -> memref<80xi32, #tpu.memory_space<vmem>>
    %dma_wait3A_54 = arith.constant 0 : i32
    %dma_wait3A_55 = arith.constant 0 : i32
    %dma_wait3A_56 = tpu.memref_slice %arg14[%dma_wait3A_54, %dma_wait3A_55] : memref<10240x128xf32, #tpu.memory_space<vmem_shared>> -> memref<10240x128xf32, #tpu.memory_space<vmem_shared>>
    tpu.wait_indirect_dma semaphore(%arg21 : memref<!tpu.dma_semaphore, #tpu.memory_space<semaphore_mem>>) src(%arg11 : memref<80x128xf32, #tpu.memory_space<vmem>>) dst(%dma_wait3A_56 : memref<10240x128xf32, #tpu.memory_space<vmem_shared>>)
    %dma_wait3A_57 = arith.constant 0 : i32
    %dma_wait3A_58 = arith.constant 0 : i32
    %dma_wait3A_59 = tpu.memref_slice %arg2[%dma_wait3A_57, %dma_wait3A_58] : memref<10000x128xf32, #tpu.memory_space<hbm>> -> memref<10000x128xf32, #tpu.memory_space<hbm>>
    tpu.wait_indirect_dma semaphore(%arg16 : memref<!tpu.dma_semaphore, #tpu.memory_space<semaphore_mem>>) src(%dma_wait3A_59 : memref<10000x128xf32, #tpu.memory_space<hbm>>) dst(%arg12 : memref<80x128xf32, #tpu.memory_space<vmem>>)
    %dma_start3A_60 = arith.constant 124 : i32
    %dma_start3A_61 = arith.constant 0 : i32
    %dma_start3A_62 = tpu.memref_slice %arg10[%dma_start3A_60, %dma_start3A_61] : memref<125x80xi32, #tpu.memory_space<vmem>> -> memref<1x80xi32, #tpu.memory_space<vmem>>
    %dma_start3A_63 = tpu.memref_squeeze %dma_start3A_62 : memref<1x80xi32, #tpu.memory_space<vmem>> -> memref<80xi32, #tpu.memory_space<vmem>>
    %dma_start3A_64 = arith.constant 0 : i32
    %dma_start3A_65 = arith.constant 0 : i32
    %dma_start3A_66 = tpu.memref_slice %arg14[%dma_start3A_64, %dma_start3A_65] : memref<10240x128xf32, #tpu.memory_space<vmem_shared>> -> memref<10240x128xf32, #tpu.memory_space<vmem_shared>>
    tpu.enqueue_indirect_dma source(%arg12 : memref<80x128xf32, #tpu.memory_space<vmem>>) target(%dma_start3A_66 : memref<10240x128xf32, #tpu.memory_space<vmem_shared>>) offsets(%dma_start3A_63 : memref<80xi32, #tpu.memory_space<vmem>>) semaphore(%arg21 : memref<!tpu.dma_semaphore, #tpu.memory_space<semaphore_mem>>) {add = true}
    %dma_wait3A_67 = arith.constant 0 : i32
    %dma_wait3A_68 = arith.constant 0 : i32
    %dma_wait3A_69 = tpu.memref_slice %arg10[%dma_wait3A_67, %dma_wait3A_68] : memref<125x80xi32, #tpu.memory_space<vmem>> -> memref<1x80xi32, #tpu.memory_space<vmem>>
    %dma_wait3A_70 = tpu.memref_squeeze %dma_wait3A_69 : memref<1x80xi32, #tpu.memory_space<vmem>> -> memref<80xi32, #tpu.memory_space<vmem>>
    %dma_wait3A_71 = arith.constant 0 : i32
    %dma_wait3A_72 = arith.constant 0 : i32
    %dma_wait3A_73 = tpu.memref_slice %arg14[%dma_wait3A_71, %dma_wait3A_72] : memref<10240x128xf32, #tpu.memory_space<vmem_shared>> -> memref<10240x128xf32, #tpu.memory_space<vmem_shared>>
    tpu.wait_indirect_dma semaphore(%arg21 : memref<!tpu.dma_semaphore, #tpu.memory_space<semaphore_mem>>) src(%arg12 : memref<80x128xf32, #tpu.memory_space<vmem>>) dst(%dma_wait3A_73 : memref<10240x128xf32, #tpu.memory_space<vmem_shared>>)
    %barrier3A_74 = arith.constant 0 : index
    tpu.barrier barrier_id(%barrier3A_74)
    %scan3A_75 = arith.constant 0 : i32
    %scan3A_76 = arith.constant 0 : i32
    %scan3A_77 = arith.constant 8 : i32
    %scan3A_78 = arith.addi %scan3A_76, %scan3A_77 : i32
    %scan3A_79 = arith.constant 1 : i32
    scf.for %scan3A_81 = %scan3A_76 to %scan3A_78 step %scan3A_79  : i32 {
      %mul3A_82 = arith.constant 80 : i32
      %mul3A_83 = arith.muli %scan3A_81, %mul3A_82 : i32
      %add3A_84 = arith.addi %mul3A_2, %mul3A_83 : i32
      "tpu.region"() ({
        %run_scoped3A = tpu.sem_alloc : memref<!tpu.dma_semaphore, #tpu.memory_space<semaphore_mem>>
        %dma_start3A_85 = arith.constant 0 : i32
        %dma_start3A_86 = tpu.memref_slice %arg14[%add3A_84, %dma_start3A_85] : memref<10240x128xf32, #tpu.memory_space<vmem_shared>> -> memref<80x128xf32, #tpu.memory_space<vmem_shared>>
        %dma_start3A_87 = arith.constant 0 : i32
        %dma_start3A_88 = tpu.memref_slice %arg14[%add3A_84, %dma_start3A_87] : memref<10240x128xf32, #tpu.memory_space<vmem_shared>> -> memref<80x128xf32, #tpu.memory_space<vmem_shared>>
        tpu.enqueue_dma source(%dma_start3A_88 : memref<80x128xf32, #tpu.memory_space<vmem_shared>>) target(%arg11 : memref<80x128xf32, #tpu.memory_space<vmem>>) target_semaphore(%run_scoped3A : memref<!tpu.dma_semaphore, #tpu.memory_space<semaphore_mem>>)
        %dma_wait3A_89 = arith.constant 0 : i32
        %dma_wait3A_90 = tpu.memref_slice %arg14[%add3A_84, %dma_wait3A_89] : memref<10240x128xf32, #tpu.memory_space<vmem_shared>> -> memref<80x128xf32, #tpu.memory_space<vmem_shared>>
        %dma_wait3A_91 = arith.constant 0 : i32
        %dma_wait3A_92 = tpu.memref_slice %arg14[%add3A_84, %dma_wait3A_91] : memref<10240x128xf32, #tpu.memory_space<vmem_shared>> -> memref<80x128xf32, #tpu.memory_space<vmem_shared>>
        tpu.wait_dma2 semaphore(%run_scoped3A : memref<!tpu.dma_semaphore, #tpu.memory_space<semaphore_mem>>) src(%dma_wait3A_92 : memref<80x128xf32, #tpu.memory_space<vmem_shared>>) dst(%arg11 : memref<80x128xf32, #tpu.memory_space<vmem>>)
        tpu.yield
      }) : () -> ()
      "tpu.region"() ({
        %run_scoped3A = tpu.sem_alloc : memref<!tpu.dma_semaphore, #tpu.memory_space<semaphore_mem>>
        %dma_start3A_85 = arith.constant 0 : i32
        %dma_start3A_86 = tpu.memref_slice %arg6[%arg0, %add3A_84, %dma_start3A_85] : memref<2x10240x128xf32, #tpu.memory_space<hbm>> -> memref<1x80x128xf32, #tpu.memory_space<hbm>>
        %dma_start3A_87 = tpu.memref_squeeze %dma_start3A_86 : memref<1x80x128xf32, #tpu.memory_space<hbm>> -> memref<80x128xf32, #tpu.memory_space<hbm>>
        %dma_start3A_88 = arith.constant 0 : i32
        %dma_start3A_89 = tpu.memref_slice %arg6[%arg0, %add3A_84, %dma_start3A_88] : memref<2x10240x128xf32, #tpu.memory_space<hbm>> -> memref<1x80x128xf32, #tpu.memory_space<hbm>>
        %dma_start3A_90 = tpu.memref_squeeze %dma_start3A_89 : memref<1x80x128xf32, #tpu.memory_space<hbm>> -> memref<80x128xf32, #tpu.memory_space<hbm>>
        tpu.enqueue_dma source(%arg11 : memref<80x128xf32, #tpu.memory_space<vmem>>) target(%dma_start3A_90 : memref<80x128xf32, #tpu.memory_space<hbm>>) target_semaphore(%run_scoped3A : memref<!tpu.dma_semaphore, #tpu.memory_space<semaphore_mem>>)
        %dma_wait3A_91 = arith.constant 0 : i32
        %dma_wait3A_92 = tpu.memref_slice %arg6[%arg0, %add3A_84, %dma_wait3A_91] : memref<2x10240x128xf32, #tpu.memory_space<hbm>> -> memref<1x80x128xf32, #tpu.memory_space<hbm>>
        %dma_wait3A_93 = tpu.memref_squeeze %dma_wait3A_92 : memref<1x80x128xf32, #tpu.memory_space<hbm>> -> memref<80x128xf32, #tpu.memory_space<hbm>>
        %dma_wait3A_94 = arith.constant 0 : i32
        %dma_wait3A_95 = tpu.memref_slice %arg6[%arg0, %add3A_84, %dma_wait3A_94] : memref<2x10240x128xf32, #tpu.memory_space<hbm>> -> memref<1x80x128xf32, #tpu.memory_space<hbm>>
        %dma_wait3A_96 = tpu.memref_squeeze %dma_wait3A_95 : memref<1x80x128xf32, #tpu.memory_space<hbm>> -> memref<80x128xf32, #tpu.memory_space<hbm>>
        tpu.wait_dma2 semaphore(%run_scoped3A : memref<!tpu.dma_semaphore, #tpu.memory_space<semaphore_mem>>) src(%arg11 : memref<80x128xf32, #tpu.memory_space<vmem>>) dst(%dma_wait3A_96 : memref<80x128xf32, #tpu.memory_space<hbm>>)
        tpu.yield
      }) : () -> ()
    }
    %scan3A_80 = arith.constant 8 : i32
    return
  }
}

module attributes {stable_mosaic.version = 14 : i64} {
  func.func @_mm_body(%arg0: memref<10000x128xf32, #tpu.memory_space<vmem>>, %arg1: memref<128x128xf32, #tpu.memory_space<vmem>>, %arg2: memref<10000x2xf32, #tpu.memory_space<vmem>>, %arg3: memref<10000x128xf32, #tpu.memory_space<vmem>>, %arg4: memref<10000x1xf32, #tpu.memory_space<vmem>>) attributes {dimension_semantics = [], scalar_prefetch = 0 : i64, scratch_operands = 0 : i64, tpu.core_type = #tpu.core_type<tc>} {
    %get3A = arith.constant 0 : index
    %get3A_0 = arith.constant 0 : index
    %get3A_1 = vector.load %arg0[%get3A, %get3A_0] : memref<10000x128xf32, #tpu.memory_space<vmem>>, vector<10000x128xf32>
    %get3A_2 = arith.constant 0 : index
    %get3A_3 = arith.constant 0 : index
    %get3A_4 = vector.load %arg1[%get3A_2, %get3A_3] : memref<128x128xf32, #tpu.memory_space<vmem>>, vector<128x128xf32>
    %dot_general3A = arith.constant dense<0.000000e+00> : vector<10000x128xf32>
    %dot_general3A_5 = tpu.matmul %get3A_1, %get3A_4, %dot_general3A {dimension_numbers = #tpu.dot_dimension_numbers<[1], [0], [0], [1], [0, 0, 1, 1], [], []>, transpose_lhs_hint = false} : vector<10000x128xf32>, vector<128x128xf32>, vector<10000x128xf32> -> vector<10000x128xf32>
    %get3A_6 = arith.constant 0 : index
    %get3A_7 = arith.constant 0 : index
    %get3A_8 = vector.load %arg2[%get3A_6, %get3A_7] : memref<10000x2xf32, #tpu.memory_space<vmem>>, vector<10000x1xf32>
    %get3A_9 = arith.constant 0 : index
    %get3A_10 = arith.constant 1 : index
    %get3A_11 = vector.load %arg2[%get3A_9, %get3A_10] : memref<10000x2xf32, #tpu.memory_space<vmem>>, vector<10000x1xf32>
    %add3A = arith.addf %get3A_8, %get3A_11 : vector<10000x1xf32>
    %add3A_12 = arith.constant 1.000000e+00 : f32
    %add3A_13 = vector.broadcast %add3A_12 : f32 to vector<10000x1xf32>
    %add3A_14 = arith.addf %add3A, %add3A_13 : vector<10000x1xf32>
    %rsqrt3A = math.rsqrt %add3A_14 : vector<10000x1xf32>
    %swap3A = arith.constant 0 : index
    %swap3A_15 = arith.constant 0 : index
    %swap3A_16 = vector.load %arg4[%swap3A, %swap3A_15] : memref<10000x1xf32, #tpu.memory_space<vmem>>, vector<10000x1xf32>
    tpu.vector_store %arg4[%swap3A, %swap3A_15], %rsqrt3A {strides = array<i32>} : memref<10000x1xf32, #tpu.memory_space<vmem>>, vector<10000x1xf32>,
    %mul3A = vector.broadcast %rsqrt3A : vector<10000x1xf32> to vector<10000x128xf32>
    %mul3A_17 = arith.mulf %dot_general3A_5, %mul3A : vector<10000x128xf32>
    %swap3A_18 = arith.constant 0 : index
    %swap3A_19 = arith.constant 0 : index
    %swap3A_20 = vector.load %arg3[%swap3A_18, %swap3A_19] : memref<10000x128xf32, #tpu.memory_space<vmem>>, vector<10000x128xf32>
    tpu.vector_store %arg3[%swap3A_18, %swap3A_19], %mul3A_17 {strides = array<i32>} : memref<10000x128xf32, #tpu.memory_space<vmem>>, vector<10000x128xf32>,
    return
  }
}

module attributes {stable_mosaic.version = 14 : i64} {
  func.func @_fin_body(%arg0: memref<10000x128xf32, #tpu.memory_space<vmem>>, %arg1: memref<10000x128xf32, #tpu.memory_space<vmem>>, %arg2: memref<10000x128xf32, #tpu.memory_space<vmem>>, %arg3: memref<10000x1xf32, #tpu.memory_space<vmem>>, %arg4: memref<10000x128xf32, #tpu.memory_space<vmem>>, %arg5: memref<1x128xf32, #tpu.memory_space<vmem>>, %arg6: memref<1x128xf32, #tpu.memory_space<vmem>>, %arg7: memref<1x128xf32, #tpu.memory_space<vmem>>, %arg8: memref<10000x128xf32, #tpu.memory_space<vmem>>) attributes {dimension_semantics = [], scalar_prefetch = 0 : i64, scratch_operands = 0 : i64, tpu.core_type = #tpu.core_type<tc>} {
    %get3A = arith.constant 0 : index
    %get3A_0 = arith.constant 0 : index
    %get3A_1 = vector.load %arg0[%get3A, %get3A_0] : memref<10000x128xf32, #tpu.memory_space<vmem>>, vector<10000x128xf32>
    %get3A_2 = arith.constant 0 : index
    %get3A_3 = arith.constant 0 : index
    %get3A_4 = vector.load %arg1[%get3A_2, %get3A_3] : memref<10000x128xf32, #tpu.memory_space<vmem>>, vector<10000x128xf32>
    %add3A = arith.addf %get3A_1, %get3A_4 : vector<10000x128xf32>
    %get3A_5 = arith.constant 0 : index
    %get3A_6 = arith.constant 0 : index
    %get3A_7 = vector.load %arg2[%get3A_5, %get3A_6] : memref<10000x128xf32, #tpu.memory_space<vmem>>, vector<10000x128xf32>
    %add3A_8 = arith.addf %add3A, %get3A_7 : vector<10000x128xf32>
    %get3A_9 = arith.constant 0 : index
    %get3A_10 = arith.constant 0 : index
    %get3A_11 = vector.load %arg3[%get3A_9, %get3A_10] : memref<10000x1xf32, #tpu.memory_space<vmem>>, vector<10000x1xf32>
    %mul3A = vector.broadcast %get3A_11 : vector<10000x1xf32> to vector<10000x128xf32>
    %mul3A_12 = arith.mulf %add3A_8, %mul3A : vector<10000x128xf32>
    %get3A_13 = arith.constant 0 : index
    %get3A_14 = arith.constant 0 : index
    %get3A_15 = vector.load %arg5[%get3A_13, %get3A_14] : memref<1x128xf32, #tpu.memory_space<vmem>>, vector<1x128xf32>
    %add3A_16 = vector.broadcast %get3A_15 : vector<1x128xf32> to vector<10000x128xf32>
    %add3A_17 = arith.addf %mul3A_12, %add3A_16 : vector<10000x128xf32>
    %max3A = arith.constant 0.000000e+00 : f32
    %max3A_18 = vector.broadcast %max3A : f32 to vector<10000x128xf32>
    %max3A_19 = arith.maximumf %add3A_17, %max3A_18 : vector<10000x128xf32>
    %get3A_20 = arith.constant 0 : index
    %get3A_21 = arith.constant 0 : index
    %get3A_22 = vector.load %arg4[%get3A_20, %get3A_21] : memref<10000x128xf32, #tpu.memory_space<vmem>>, vector<10000x128xf32>
    %add3A_23 = arith.addf %max3A_19, %get3A_22 : vector<10000x128xf32>
    %reduce_sum3A = arith.constant dense<0.000000e+00> : vector<128xf32>
    %reduce_sum3A_24 = vector.multi_reduction <add>, %add3A_23, %reduce_sum3A [0] : vector<10000x128xf32> to vector<128xf32>
    %broadcast_in_dim3A = vector.shape_cast %reduce_sum3A_24 : vector<128xf32> to vector<1x128xf32>
    %div3A = arith.constant 1.000000e+04 : f32
    %div3A_25 = vector.broadcast %div3A : f32 to vector<1x128xf32>
    %div3A_26 = arith.divf %broadcast_in_dim3A, %div3A_25 : vector<1x128xf32>
    %sub3A = vector.broadcast %div3A_26 : vector<1x128xf32> to vector<10000x128xf32>
    %sub3A_27 = arith.subf %add3A_23, %sub3A : vector<10000x128xf32>
    %mul3A_28 = arith.mulf %sub3A_27, %sub3A_27 : vector<10000x128xf32>
    %reduce_sum3A_29 = arith.constant dense<0.000000e+00> : vector<128xf32>
    %reduce_sum3A_30 = vector.multi_reduction <add>, %mul3A_28, %reduce_sum3A_29 [0] : vector<10000x128xf32> to vector<128xf32>
    %broadcast_in_dim3A_31 = vector.shape_cast %reduce_sum3A_30 : vector<128xf32> to vector<1x128xf32>
    %div3A_32 = arith.constant 1.000000e+04 : f32
    %div3A_33 = vector.broadcast %div3A_32 : f32 to vector<1x128xf32>
    %div3A_34 = arith.divf %broadcast_in_dim3A_31, %div3A_33 : vector<1x128xf32>
    %add3A_35 = arith.constant 9.99999974E-6 : f32
    %add3A_36 = vector.broadcast %add3A_35 : f32 to vector<1x128xf32>
    %add3A_37 = arith.addf %div3A_34, %add3A_36 : vector<1x128xf32>
    %rsqrt3A = math.rsqrt %add3A_37 : vector<1x128xf32>
    %mul3A_38 = vector.broadcast %rsqrt3A : vector<1x128xf32> to vector<10000x128xf32>
    %mul3A_39 = arith.mulf %sub3A_27, %mul3A_38 : vector<10000x128xf32>
    %get3A_40 = arith.constant 0 : index
    %get3A_41 = arith.constant 0 : index
    %get3A_42 = vector.load %arg6[%get3A_40, %get3A_41] : memref<1x128xf32, #tpu.memory_space<vmem>>, vector<1x128xf32>
    %mul3A_43 = vector.broadcast %get3A_42 : vector<1x128xf32> to vector<10000x128xf32>
    %mul3A_44 = arith.mulf %mul3A_39, %mul3A_43 : vector<10000x128xf32>
    %get3A_45 = arith.constant 0 : index
    %get3A_46 = arith.constant 0 : index
    %get3A_47 = vector.load %arg7[%get3A_45, %get3A_46] : memref<1x128xf32, #tpu.memory_space<vmem>>, vector<1x128xf32>
    %add3A_48 = vector.broadcast %get3A_47 : vector<1x128xf32> to vector<10000x128xf32>
    %add3A_49 = arith.addf %mul3A_44, %add3A_48 : vector<10000x128xf32>
    %swap3A = arith.constant 0 : index
    %swap3A_50 = arith.constant 0 : index
    %swap3A_51 = vector.load %arg8[%swap3A, %swap3A_50] : memref<10000x128xf32, #tpu.memory_space<vmem>>, vector<10000x128xf32>
    tpu.vector_store %arg8[%swap3A, %swap3A_50], %add3A_49 {strides = array<i32>} : memref<10000x128xf32, #tpu.memory_space<vmem>>, vector<10000x128xf32>,
    return
  }
}

</mosaic_0001>

<sc_bundles>
// kernel: kernel.6.cloned.1.call-start
scs
__scs_entry_jumppad:
0x0: {  	(pc) =	sbr.rel $0x88, $3  }
0x1: {  	(tag) =	ssettag $0x0;
	lr =	simm.s32 $0x1  }
0x2: {  	[smem:$0x3F9B] =	sst lr;
	_ =	strace $0xD0000000  }
0x3: {  	_ = 	snop  }
0x4: {  	_ = 	snop  }
0x5: {  	_ = 	snop  }
0x6: {  	_ = 	snop  }
0x7: {  	_ = 	snop  }
__scs_overlays_trampoline_lowered:
0x8: {  	[smem:$0x3FAA] =	sst s0  }
0x9: {  	[smem:$0x3FAB] =	sst s1  }
0xa: {  	[smem:$0x3FAC] =	sst s2  }
0xb: {  	[smem:$0x3FAD] =	sst s3  }
0xc: {  	[smem:$0x3FAE] =	sst s4  }
0xd: {  	[smem:$0x3FAF] =	sst s5  }
0xe: {  	[smem:$0x3FB0] =	sst s6  }
0xf: {  	[smem:$0x3FB1] =	sst s7  }
0x10: {  	[smem:$0x3FB2] =	sst s8  }
0x11: {  	[smem:$0x3FB3] =	sst s9;
	s0 =	simm.s32 @!p0 $0x0  }
0x12: {  	s1 =	sld [smem:$0x3F99];
	s0 =	simm.s32 @p0 $0x1  }
0x13: {  	[smem:$0x3FB4] =	sst s0;
	s0 =	simm.s32 @!p1 $0x0  }
0x14: {  	s2 =	sld [smem:$0x3F98];
	s0 =	simm.s32 @p1 $0x1  }
0x15: {  	[smem:$0x3FB5] =	sst s0;
	s0 =	simm.s32 @!p2 $0x0  }
0x16: {  	s3 =	sld [smem:$0x3FDB];
	s0 =	simm.s32 @p2 $0x1  }
0x17: {  	s4 =	simm.s32 $0x1BF5;
	[smem:$0x3FB7] =	sst s0  }
0x18: {  	s0 =	sld [smem:$0x3F9A];
	_ =	swait.ge [sflag:s4], $0x0  }
0x19: {  	s7 =	sld [smem:$0x3F9B]  }
0x1a: {  	s8 =	sadd.s32 $0xFFFFE003, lr  }
0x1b: {  	s9 =	sadd.s32 $0xFFFFFEF7, lr;
	s5 =	simm.s32 $0xFFFFFFFF;
	p2 =	slt.u32 s8, $0xFFFFF086  }
0x1c: {  	p1 =	slt.u32 s9, $0xF7A;
	s5 =	simm.s32 @!p2 $0x0  }
0x1d: {  	s5 =	simm.s32 @p1 $0x1;
	p0 =	seq.s32 s7, s2  }
0x1e: {  	s7 =	smul.u32 @!p0 $0xF7A, s2;
	p2 =	seq.s32 @!p0 s5, $0x0  }
0x1f: {  	s9 =	smul.u32 $0xF7A, s1;
	s8 =	simm.s32 @!p0 $0x1BF5;
	p2 =	por !p2, p0  }
0x20: {  	[sflag:s8] =	ssyncset.s32 @!p0 $0xFFFFF086;
	s6 =	sadd.s32 @!p0 s3, s7;
	s7 =	simm.s32 @!p0 $0x108  }
0x21: {  	s3 =	sadd.s32 s3, s9;
	s6 =	sadd.s32 @!p0 $0x88, s6;
	s7 =	simm.s32 @p2 $0x1082  }
0x22: {  	[simem:s7], [sflag:s8] =	dma.local @!p0 [hbm:s6], $0xF7A  }
0x23: {  	s9 =	sor.u32 $0xD0000000, s2;
	s6 =	simm.s32 $0x108;
	_ =	swait.ge @!p0 [sflag:s8], $0x0  }
0x24: {  	s3 =	sadd.s32 $0x88, s3;
	s6 =	simm.s32 @!p1 $0x1082;
	[sflag:s4] =	ssyncset.s32 $0xFFFFF086  }
0x25: {  	[simem:s6], [sflag:s4] =	dma.local [hbm:s3], $0xF7A  }
0x26: {  	[smem:$0x3F9B] =	sst s1;
	(tag) =	ssettag s2;
	_ =	strace s9  }
0x27: {  	s1 =	sld [smem:$0x3FAB]  }
0x28: {  	s2 =	sld [smem:$0x3FAC]  }
0x29: {  	s4 =	sld [smem:$0x3FAE]  }
0x2a: {  	p0 =	seq.s32 s5, $0x0;
	s5 =	sld [smem:$0x3FAF]  }
0x2b: {  	s6 =	sld [smem:$0x3FB0]  }
0x2c: {  	s7 =	sld [smem:$0x3FB1]  }
0x2d: {  	s3 =	simm.s32 $0x108;
	s8 =	sld [smem:$0x3FB2]  }
0x2e: {  	s3 =	simm.s32 @!p0 $0x1082;
	s9 =	sld [smem:$0x3FB3]  }
0x2f: {  	lr =	sadd.s32 s0, s3;
	s0 =	sld [smem:$0x3FAA]  }
0x30: {  	s3 =	sld [smem:$0x3FAD]  }
0x31: {  	[smem:$0x3FB6] =	sst s10  }
0x32: {  	s10 =	sld [smem:$0x3FB4];
	_ =	sdelay $0x3  }
0x33: {  	p0 =	seq.s32 s10, $0x1;
	s10 =	sld [smem:$0x3FB6];
	_ =	sdelay $0x3  }
0x34: {  	[smem:$0x3FB6] =	sst s10  }
0x35: {  	s10 =	sld [smem:$0x3FB5];
	_ =	sdelay $0x3  }
0x36: {  	p1 =	seq.s32 s10, $0x1;
	s10 =	sld [smem:$0x3FB6];
	_ =	sdelay $0x3  }
0x37: {  	[smem:$0x3FB6] =	sst s10  }
0x38: {  	s10 =	sld [smem:$0x3FB7]  }
0x39: {  	_ = 	snop;
	(pc) =	sbr.ind lr, $3  }
0x3a: {  	_ = 	snop  }
0x3b: {  	_ = 	snop  }
0x3c: {  	p2 =	seq.s32 s10, $0x1;
	s10 =	sld [smem:$0x3FB6]  }
0x3d: {  	_ =	shalt  }
0x3e: {  	_ =	shalt  }
0x3f: {  	_ =	shalt  }
0x40: {  	_ =	shalt  }
0x41: {  	_ =	shalt  }
0x42: {  	_ =	shalt  }
0x43: {  	_ =	shalt  }
0x44: {  	_ =	shalt  }
0x45: {  	_ =	shalt  }
0x46: {  	_ =	shalt  }
0x47: {  	_ =	shalt  }
0x48: {  	_ =	shalt  }
0x49: {  	_ =	shalt  }
0x4a: {  	_ =	shalt  }
0x4b: {  	_ =	shalt  }
0x4c: {  	_ =	shalt  }
0x4d: {  	_ =	shalt  }
0x4e: {  	_ =	shalt  }
0x4f: {  	_ =	shalt  }
0x50: {  	_ =	shalt  }
0x51: {  	_ =	shalt  }
0x52: {  	_ =	shalt  }
0x53: {  	_ =	shalt  }
0x54: {  	_ =	shalt  }
0x55: {  	_ =	shalt  }
0x56: {  	_ =	shalt  }
0x57: {  	_ =	shalt  }
0x58: {  	_ =	shalt  }
0x59: {  	_ =	shalt  }
0x5a: {  	_ =	shalt  }
0x5b: {  	_ =	shalt  }
0x5c: {  	_ =	shalt  }
0x5d: {  	_ =	shalt  }
0x5e: {  	_ =	shalt  }
0x5f: {  	_ =	shalt  }
0x60: {  	_ =	shalt  }
0x61: {  	_ =	shalt  }
0x62: {  	_ =	shalt  }
0x63: {  	_ =	shalt  }
0x64: {  	_ =	shalt  }
0x65: {  	_ =	shalt  }
0x66: {  	_ =	shalt  }
0x67: {  	_ =	shalt  }
0x68: {  	_ =	shalt  }
0x69: {  	_ =	shalt  }
0x6a: {  	_ =	shalt  }
0x6b: {  	_ =	shalt  }
0x6c: {  	_ =	shalt  }
0x6d: {  	_ =	shalt  }
0x6e: {  	_ =	shalt  }
0x6f: {  	_ =	shalt  }
0x70: {  	_ =	shalt  }
0x71: {  	_ =	shalt  }
0x72: {  	_ =	shalt  }
0x73: {  	_ =	shalt  }
0x74: {  	_ =	shalt  }
0x75: {  	_ =	shalt  }
0x76: {  	_ =	shalt  }
0x77: {  	_ =	shalt  }
0x78: {  	_ =	shalt  }
0x79: {  	_ =	shalt  }
0x7a: {  	_ =	shalt  }
0x7b: {  	_ =	shalt  }
0x7c: {  	_ =	shalt  }
0x7d: {  	_ =	shalt  }
0x7e: {  	_ =	shalt  }
0x7f: {  	_ =	shalt  }
0x80: {  	_ =	shalt  }
0x81: {  	_ =	shalt  }
0x82: {  	_ =	shalt  }
0x83: {  	_ =	shalt  }
0x84: {  	_ =	shalt  }
0x85: {  	_ =	shalt  }
0x86: {  	_ =	shalt  }
0x87: {  	_ =	shalt  }
.Lfunc_end0:
.L_simem_size_0:
called_computation_lowered:
.L_overlay_start_0:
0x88: {  	s2 =	sld [smem:$0x3FD9]  }
0x89: {  	s3 =	sld [smem:$0x3FFE];
	_ =	sdelay $0x1  }
0x8a: {  	s1 =	srdreg.scid  }
0x8b: {  	s0 =	sand.u32 $0x1, s1  }
0x8c: {  	s17 =	sshll.u32 s0, $0xA;
	s2 =	sadd.s32 s3, s2  }
0x8d: {  	s2 =	sadd.s32 s2, s17  }
0x8e: {  	[smem:$0x3FC2] =	sst s2  }
0x8f: {  	_ = 	snop  }
0x90: {  	s2 =	sld [smem:$0x3FD0];
	(tm) =	ssettm $0x1  }
0x91: {  	s18 =	sld [smem:$0x3FFB];
	_ =	sdelay $0x3  }
0x92: {  	_ =	strace s18  }
0x93: {  	s3 =	sld [smem:$0x3FFC];
	_ =	sdelay $0x3  }
0x94: {  	_ =	strace s3  }
0x95: {  	s3 =	sld [smem:$0x3FFD];
	_ =	sdelay $0x3  }
0x96: {  	_ =	strace s3  }
0x97: {  	_ =	strace $0x8FFFFFFF  }
0x98: {  	s19 =	sld [smem:$0x3FDB];
	_ =	sdelay $0x1  }
0x99: {  	s4 =	simm.s32 $_scs_section_size  }
0x9a: {  	s5 =	simm.s32 $_size__tile_overlayer_lowered;
	s6 =	simm.s32 $_tile_overlayer_lowered  }
0x9b: {  	s22 =	simm.s32 $0x1BFF;
	s21 =	sshll.u32 s6, $0x1;
	s3 =	sadd.s32 s4, s19  }
0x9c: {  	s7 =	simm.s32 $0x0;
	s20 =	sshll.u32 s5, $0x1;
	s5 =	sadd.s32 s21, s3  }
0x9d: {  	[timem:s7], [sflag:s22] =	dma.local [hbm:s5], s20  }
0x9e: {  	_ =	swait.ge [sflag:s22], s20  }
0x9f: {  	s4 =	ssub.s32 $0x0, s20;
	[sflag:s22] =	ssyncset.done $0x0  }
0xa0: {  	[sflag:s22] =	ssyncadd.s32 s4;
	_ =	sdelay $0x1  }
0xa1: {  	s23 =	simm.s32 $0x1B8B  }
0xa2: {  	_ =	swait.ge [sflag:s23], $0x1  }
0xa3: {  	[sflag:s23] =	ssyncset.done $0x0  }
0xa4: {  	s25 =	simm.s32 $0x1B8E;
	s24 =	sld [smem:$0x3FFE];
	[sflag:s23] =	ssyncadd.s32 $0xFFFFFFFF  }
0xa5: {  	s26 =	simm.s32 $execute0_lowered;
	[smem:$0x3FD2] =	sst s25  }
0xa6: {  	s5 =	sshll.u32 s26, $0x1;
	_ =	strace $0x80000046;
	[dreg:$0x1] =	wrdreg $0xFFFFFFFF  }
0xa7: {  	s28 =	simm.s32 $_size_execute0_lowered;
	s3 =	sadd.s32 s3, s5;
	[dreg:$0x0] =	wrdreg $0x0  }
0xa8: {  	s5 =	sshll.u32 s28, $0x1;
	[dreg:$0x2] =	wrdreg s3  }
0xa9: {  	[dreg:$0x3] =	wrdreg s5  }
0xaa: {  	[dreg:$0x4] =	wrdreg $0xC0  }
0xab: {  	_ =	task [dreg:s7], $0x5FFFF  }
0xac: {  	[dreg:$0x1] =	wrdreg $0xFFFFFFFF  }
0xad: {  	[dreg:$0x0] =	wrdreg $0x60  }
0xae: {  	[dreg:$0x2] =	wrdreg s24  }
0xaf: {  	[dreg:$0x3] =	wrdreg s2  }
0xb0: {  	[dreg:$0x4] =	wrdreg $0x44800  }
0xb1: {  	[dreg:$0x5] =	wrdreg $0x9  }
0xb2: {  	_ =	task.clear_ibuf [dreg:s7], $0x6FFFF;
	_ =	strace $0x90000046  }
0xb3: {  	s29 =	simm.s32 $0x9;
	_ =	strace $0x80000048  }
0xb4: {  	_ =	swait.ge [sflag:s29], $0x1  }
0xb5: {  	[sflag:s29] =	ssyncadd.s32 $0xFFFFFFFF  }
0xb6: {  	_ =	strace $0x90000048  }
0xb7: {  	_ =	sfence  }
0xb8: {  	s30 =	sld [smem:$0x0];
	_ =	sdelay $0x2  }
0xb9: {  	s31 =	sshll.u32 s1, $0xD;
	s1 =	sshrl.u32 s1, $0x2  }
0xba: {  	s3 =	sand.u32 $0x4000, s31;
	s1 =	sadd.s32 s1, s30  }
0xbb: {  	s0 =	sor.u32 s3, s0;
	s1 =	sshll.u32 s1, $0x11  }
0xbc: {  	s0 =	sor.u32 s1, s0  }
0xbd: {  	s0 =	sadd.s32 $0x8F2B, s0  }
0xbe: {  	[sflag:s0] =	ssyncadd.remote.s32 $0x1  }
0xbf: {  	_ =	sfence.sel $0xFFFF  }
0xc0: {  	[dreg:$0x0] =	wrdreg $0xFFFFFFFF;
	(pc) =	sbr.abs _section_cstart, $3  }
0xc1: {  	[dreg:$0x1] =	wrdreg $0xFFFFFFFF  }
0xc2: {  	_ =	task.clear_ibuf [dreg:s7], $0x2FFFF;
	_ =	strace $0x9FFFFFFF  }
0xc3: {  	(tm) =	ssettm $0x7FFFFFFF  }
tec
execute0_lowered:
.L_overlay_start_1:
0x0: {  	(tag) =	ssettag $0x1  }
0x1: {  	s5 =	rddreg [dreg:$0x0]  }
0x2: {  	s9 =	rddreg [dreg:$0x1]  }
0x3: {  	s1 =	rddreg [dreg:$0x2]  }
0x4: {  	s0 =	rddreg [dreg:$0x3];
	s3 =	simm.s32 $0x0;
	s2 =	stileid.u32  }
0x5: {  	s4 =	srdreg.scid;
	s14 =	simm.s32 $0x1;
	s15 =	simm.s32 $0x0  }
0x6: {  	[smem:$0x7FF] =	sst s3;
	s6 =	sshll.u32 s2, $0xB;
	s8 =	smul.u32 $0xFA0, s2  }
0x7: {  	s7 =	sand.u32 $0x1, s4;
	s11 =	smul.u32 $0x3E8, s2;
	s4 =	sadd.s32 $0x1B600, s5  }
0x8: {  	p0 =	sgt.u32 s2, $0x9;
	_ =	strace $0x80000047;
	s6 =	sadd.s32 s6, s5  }
0x9: {  	s10 =	ssub.s32 $0x2, s7;
	s13 =	smul.u32 $0x2710, s7;
	s5 =	sadd.s32 $0x1B800, s5  }
0xa: {  	s7 =	sshll.u32 s7, $0xF;
	s12 =	sshrl.u32 s10, $0x1;
	s8 =	sshrl.u32 s8, $0x2  }
0xb: {  	s7 =	sadd.s32 s7, s6;
	s10 =	ssub.s32 s10, s12;
	s31 =	sadd.s32 s11, s13  }
0xc: {  	s6 =	sadd.s32 s8, s1;
	s7 =	sadd.s32 $0xB600, s7;
	s8 =	sadd.s32 s11, s1  }
0xd: {  	s11 =	simm.s32 $0x4000;
	s13 =	simm.s32 $0x50;
	s12 =	sshrl.u32 s31, $0x3  }
0xe: {  	s10 =	smax.u32 s10, $0x1;
	s9 =	sadd.s32 s9, s12;
	s12 =	simm.s32 $0x2  }
.LBB2_1:
0xf: {  	s16 =	simm.s32 @!p0 $0x0;
	s17 =	simm.s32 @!p0 $0x4080  }
0x10: {  	[tilespmem:s17], [sflag:$0x2] =	stream.linear.gather @!p0 [hbm4b:s5+s16], $0x400, $0x38;
	[tilespmem:$0x46F8] =	vst v63  }
0x11: {  	s16 =	simm.s32 @!p0 $0x2  }
0x12: {  	_ =	swait.ge @!p0 [sflag:s16], $0x400  }
0x13: {  	[sflag:s16] =	ssyncset.done @!p0 $0x0  }
0x14: {  	[sflag:s16] =	ssyncadd.s32 @!p0 $0xFFFFFC00  }
0x15: {  	[spmem:s6] =	stream.linear.scatter @!p0 [tilespmem:s17], [sflag:$0x2], $0x3E8, $0x38;
	[tilespmem:$0x46F8] =	vst v63  }
0x16: {  	_ =	swait.ge @!p0 [sflag:s16], $0x3E8  }
0x17: {  	[sflag:s16] =	ssyncset.done @!p0 $0x0  }
0x18: {  	[sflag:s16] =	ssyncadd.s32 @!p0 $0xFFFFFC18  }
0x19: {  	[tilespmem:s11], [sflag:$0x2] =	stream.linear.gather [hbm4b:s4+s3], $0x80, $0x38;
	[tilespmem:$0x46F8] =	vst v63  }
0x1a: {  	_ =	swait.ge [sflag:s12], $0x80  }
0x1b: {  	[sflag:s12] =	ssyncset.done $0x0  }
0x1c: {  	[sflag:s12] =	ssyncadd.s32 $0xFFFFFF80  }
0x1d: {  	[tilespmem:s3], [sflag:$0x2] =	stream.linear.gather [hbm4b:s7+s3], $0x3E80, $0x38;
	[tilespmem:$0x46F8] =	vst v63  }
0x1e: {  	_ =	swait.ge [sflag:s12], $0x3E80  }
0x1f: {  	[sflag:s12] =	ssyncset.done $0x0  }
0x20: {  	[sflag:s12] =	ssyncadd.s32 $0xFFFFC180  }
0x21: {  	s31 =	simm.s32 $0x0;
	[bflag:$0x0] =	sbarrier.arrive $0xFFFF  }
0x22: {  	[spmem:s1] =	stream.indirect.scatter.add.f32 [tilespmem:s11], [sflag:$0x1], $0x1, s31, s13, $0xb8;
	[tilespmem:$0x46F8] =	vst v63  }
0x23: {  	_ =	swait.ge [sflag:s14], $0x50  }
0x24: {  	s16 =	simm.s32 $0x200;
	[sflag:s14] =	ssyncset.done $0x0  }
.LBB2_2:
0x25: {  	s17 =	sshra.s32 s16, $0x2;
	[sflag:s14] =	ssyncadd.s32 $0xFFFFFFB0;
	p1 =	sne.s32 s16, $0xF800  }
0x26: {  	[spmem:s1] =	stream.indirect.scatter.add.f32 [tilespmem:s11], [sflag:$0x1], $0x1, s17, s13, $0xb8;
	[tilespmem:$0x46F8] =	vst v63  }
.Ltmp0:
0x27: {  	_ = 	snop;
	(pc) =	sbr.rel @p1 .LBB2_2-.Ltmp0, $4  }
0x28: {  	_ = 	snop  }
0x29: {  	s16 =	sadd.s32 $0x200, s16  }
0x2a: {  	_ =	swait.ge [sflag:s14], $0x50  }
0x2b: {  	[sflag:s14] =	ssyncset.done $0x0  }
0x2c: {  	[sflag:s14] =	ssyncadd.s32 $0xFFFFFFB0  }
0x2d: {  	s16 =	simm.s32 @!p0 $0x4080;
	s17 =	simm.s32 @!p0 $0x2;
	[bflag:$0x0] =	sbarrier.arrive $0xFFFF  }
0x2e: {  	[tilespmem:s16], [sflag:$0x2] =	stream.linear.gather @!p0 [spmem:s8], $0x3E8, $0x38;
	[tilespmem:$0x46F8] =	vst v63  }
0x2f: {  	s15 =	sadd.s32 $0x1, s15;
	_ =	swait.ge @!p0 [sflag:s17], $0x3E8  }
0x30: {  	p1 =	sne.s32 s15, s10;
	[sflag:s17] =	ssyncset.done @!p0 $0x0  }
.Ltmp1:
0x31: {  	s18 =	simm.s32 @!p0 $0x0;
	[sflag:s17] =	ssyncadd.s32 @!p0 $0xFFFFFC18;
	(pc) =	sbr.rel @p1 .LBB2_1-.Ltmp1, $4  }
0x32: {  	[hbm4b:s9+s18] =	stream.linear.scatter @!p0 [tilespmem:s16], [sflag:$0x2], $0x3E8, $0x38;
	[tilespmem:$0x46F8] =	vst v63  }
0x33: {  	_ =	swait.ge @!p0 [sflag:s17], $0x3E8  }
0x34: {  	[sflag:s17] =	ssyncset.done @!p0 $0x0  }
0x35: {  	[sflag:s17] =	ssyncadd.s32 @!p0 $0xFFFFFC18  }
0x36: {  	_ =	sfence.sel $0x180000  }
0x37: {  	[bflag:$0x0] =	sbarrier.arrive $0xFFFF  }
0x38: {  	p0 =	sne.s32 s2, $0x0;
	_ =	strace $0x90000047  }
0x39: {  	s0 =	sadd.s32 @!p0 $0x100000, s0;
	[bflag:$0x2] =	sbarrier.arrive $0xFFFF  }
0x3a: {  	[sflag:s0] =	ssyncadd.tile.s32 @!p0 $0x1;
	_ =	shalt  }
.Lfunc_end2:
_tile_overlayer_lowered:
.L_overlay_start_2:
0x3b: {  	(tag) =	ssettag $0x2  }
0x3c: {  	s0 =	rddreg [dreg:$0x0];
	s2 =	stileid.u32  }
0x3d: {  	s1 =	rddreg [dreg:$0x1];
	p0 =	sne.s32 s2, $0x0  }
0x3e: {  	s3 =	rddreg [dreg:$0x2];
	[bflag:$0x3] =	sbarrier.arrive $0xFFFF;
	s2 =	simm.s32 @!p0 $0x1C02  }
0x3f: {  	[timem:s3], [sflag:s2] =	dma.local @!p0 [hbm:s0], s1  }
0x40: {  	s0 =	simm.s32 @!p0 $0x2  }
0x41: {  	_ =	swait.ge @!p0 [sflag:s0], s1  }
0x42: {  	s1 =	ssub.s32 @!p0 $0x0, s1;
	[sflag:s0] =	ssyncset.done @!p0 $0x0  }
0x43: {  	[sflag:s0] =	ssyncadd.s32 @!p0 s1  }
0x44: {  	[bflag:$0x3] =	sbarrier.arrive $0xFFFF  }
0x45: {  	_ =	shalt  }

// kernel: kernel.9.cloned.1.call-start
scs
__scs_entry_jumppad:
0x0: {  	(pc) =	sbr.rel $0x88, $3  }
0x1: {  	(tag) =	ssettag $0x0;
	lr =	simm.s32 $0x1  }
0x2: {  	[smem:$0x3F9B] =	sst lr;
	_ =	strace $0xD0000000  }
0x3: {  	_ = 	snop  }
0x4: {  	_ = 	snop  }
0x5: {  	_ = 	snop  }
0x6: {  	_ = 	snop  }
0x7: {  	_ = 	snop  }
__scs_overlays_trampoline_lowered:
0x8: {  	[smem:$0x3FAA] =	sst s0  }
0x9: {  	[smem:$0x3FAB] =	sst s1  }
0xa: {  	[smem:$0x3FAC] =	sst s2  }
0xb: {  	[smem:$0x3FAD] =	sst s3  }
0xc: {  	[smem:$0x3FAE] =	sst s4  }
0xd: {  	[smem:$0x3FAF] =	sst s5  }
0xe: {  	[smem:$0x3FB0] =	sst s6  }
0xf: {  	[smem:$0x3FB1] =	sst s7  }
0x10: {  	[smem:$0x3FB2] =	sst s8  }
0x11: {  	[smem:$0x3FB3] =	sst s9;
	s0 =	simm.s32 @!p0 $0x0  }
0x12: {  	s1 =	sld [smem:$0x3F99];
	s0 =	simm.s32 @p0 $0x1  }
0x13: {  	[smem:$0x3FB4] =	sst s0;
	s0 =	simm.s32 @!p1 $0x0  }
0x14: {  	s2 =	sld [smem:$0x3F98];
	s0 =	simm.s32 @p1 $0x1  }
0x15: {  	[smem:$0x3FB5] =	sst s0;
	s0 =	simm.s32 @!p2 $0x0  }
0x16: {  	s3 =	sld [smem:$0x3FDB];
	s0 =	simm.s32 @p2 $0x1  }
0x17: {  	s4 =	simm.s32 $0x1BF5;
	[smem:$0x3FB7] =	sst s0  }
0x18: {  	s0 =	sld [smem:$0x3F9A];
	_ =	swait.ge [sflag:s4], $0x0  }
0x19: {  	s7 =	sld [smem:$0x3F9B]  }
0x1a: {  	s8 =	sadd.s32 $0xFFFFE003, lr  }
0x1b: {  	s9 =	sadd.s32 $0xFFFFFEF7, lr;
	s5 =	simm.s32 $0xFFFFFFFF;
	p2 =	slt.u32 s8, $0xFFFFF086  }
0x1c: {  	p1 =	slt.u32 s9, $0xF7A;
	s5 =	simm.s32 @!p2 $0x0  }
0x1d: {  	s5 =	simm.s32 @p1 $0x1;
	p0 =	seq.s32 s7, s2  }
0x1e: {  	s7 =	smul.u32 @!p0 $0xF7A, s2;
	p2 =	seq.s32 @!p0 s5, $0x0  }
0x1f: {  	s9 =	smul.u32 $0xF7A, s1;
	s8 =	simm.s32 @!p0 $0x1BF5;
	p2 =	por !p2, p0  }
0x20: {  	[sflag:s8] =	ssyncset.s32 @!p0 $0xFFFFF086;
	s6 =	sadd.s32 @!p0 s3, s7;
	s7 =	simm.s32 @!p0 $0x108  }
0x21: {  	s3 =	sadd.s32 s3, s9;
	s6 =	sadd.s32 @!p0 $0x88, s6;
	s7 =	simm.s32 @p2 $0x1082  }
0x22: {  	[simem:s7], [sflag:s8] =	dma.local @!p0 [hbm:s6], $0xF7A  }
0x23: {  	s9 =	sor.u32 $0xD0000000, s2;
	s6 =	simm.s32 $0x108;
	_ =	swait.ge @!p0 [sflag:s8], $0x0  }
0x24: {  	s3 =	sadd.s32 $0x88, s3;
	s6 =	simm.s32 @!p1 $0x1082;
	[sflag:s4] =	ssyncset.s32 $0xFFFFF086  }
0x25: {  	[simem:s6], [sflag:s4] =	dma.local [hbm:s3], $0xF7A  }
0x26: {  	[smem:$0x3F9B] =	sst s1;
	(tag) =	ssettag s2;
	_ =	strace s9  }
0x27: {  	s1 =	sld [smem:$0x3FAB]  }
0x28: {  	s2 =	sld [smem:$0x3FAC]  }
0x29: {  	s4 =	sld [smem:$0x3FAE]  }
0x2a: {  	p0 =	seq.s32 s5, $0x0;
	s5 =	sld [smem:$0x3FAF]  }
0x2b: {  	s6 =	sld [smem:$0x3FB0]  }
0x2c: {  	s7 =	sld [smem:$0x3FB1]  }
0x2d: {  	s3 =	simm.s32 $0x108;
	s8 =	sld [smem:$0x3FB2]  }
0x2e: {  	s3 =	simm.s32 @!p0 $0x1082;
	s9 =	sld [smem:$0x3FB3]  }
0x2f: {  	lr =	sadd.s32 s0, s3;
	s0 =	sld [smem:$0x3FAA]  }
0x30: {  	s3 =	sld [smem:$0x3FAD]  }
0x31: {  	[smem:$0x3FB6] =	sst s10  }
0x32: {  	s10 =	sld [smem:$0x3FB4];
	_ =	sdelay $0x3  }
0x33: {  	p0 =	seq.s32 s10, $0x1;
	s10 =	sld [smem:$0x3FB6];
	_ =	sdelay $0x3  }
0x34: {  	[smem:$0x3FB6] =	sst s10  }
0x35: {  	s10 =	sld [smem:$0x3FB5];
	_ =	sdelay $0x3  }
0x36: {  	p1 =	seq.s32 s10, $0x1;
	s10 =	sld [smem:$0x3FB6];
	_ =	sdelay $0x3  }
0x37: {  	[smem:$0x3FB6] =	sst s10  }
0x38: {  	s10 =	sld [smem:$0x3FB7]  }
0x39: {  	_ = 	snop;
	(pc) =	sbr.ind lr, $3  }
0x3a: {  	_ = 	snop  }
0x3b: {  	_ = 	snop  }
0x3c: {  	p2 =	seq.s32 s10, $0x1;
	s10 =	sld [smem:$0x3FB6]  }
0x3d: {  	_ =	shalt  }
0x3e: {  	_ =	shalt  }
0x3f: {  	_ =	shalt  }
0x40: {  	_ =	shalt  }
0x41: {  	_ =	shalt  }
0x42: {  	_ =	shalt  }
0x43: {  	_ =	shalt  }
0x44: {  	_ =	shalt  }
0x45: {  	_ =	shalt  }
0x46: {  	_ =	shalt  }
0x47: {  	_ =	shalt  }
0x48: {  	_ =	shalt  }
0x49: {  	_ =	shalt  }
0x4a: {  	_ =	shalt  }
0x4b: {  	_ =	shalt  }
0x4c: {  	_ =	shalt  }
0x4d: {  	_ =	shalt  }
0x4e: {  	_ =	shalt  }
0x4f: {  	_ =	shalt  }
0x50: {  	_ =	shalt  }
0x51: {  	_ =	shalt  }
0x52: {  	_ =	shalt  }
0x53: {  	_ =	shalt  }
0x54: {  	_ =	shalt  }
0x55: {  	_ =	shalt  }
0x56: {  	_ =	shalt  }
0x57: {  	_ =	shalt  }
0x58: {  	_ =	shalt  }
0x59: {  	_ =	shalt  }
0x5a: {  	_ =	shalt  }
0x5b: {  	_ =	shalt  }
0x5c: {  	_ =	shalt  }
0x5d: {  	_ =	shalt  }
0x5e: {  	_ =	shalt  }
0x5f: {  	_ =	shalt  }
0x60: {  	_ =	shalt  }
0x61: {  	_ =	shalt  }
0x62: {  	_ =	shalt  }
0x63: {  	_ =	shalt  }
0x64: {  	_ =	shalt  }
0x65: {  	_ =	shalt  }
0x66: {  	_ =	shalt  }
0x67: {  	_ =	shalt  }
0x68: {  	_ =	shalt  }
0x69: {  	_ =	shalt  }
0x6a: {  	_ =	shalt  }
0x6b: {  	_ =	shalt  }
0x6c: {  	_ =	shalt  }
0x6d: {  	_ =	shalt  }
0x6e: {  	_ =	shalt  }
0x6f: {  	_ =	shalt  }
0x70: {  	_ =	shalt  }
0x71: {  	_ =	shalt  }
0x72: {  	_ =	shalt  }
0x73: {  	_ =	shalt  }
0x74: {  	_ =	shalt  }
0x75: {  	_ =	shalt  }
0x76: {  	_ =	shalt  }
0x77: {  	_ =	shalt  }
0x78: {  	_ =	shalt  }
0x79: {  	_ =	shalt  }
0x7a: {  	_ =	shalt  }
0x7b: {  	_ =	shalt  }
0x7c: {  	_ =	shalt  }
0x7d: {  	_ =	shalt  }
0x7e: {  	_ =	shalt  }
0x7f: {  	_ =	shalt  }
0x80: {  	_ =	shalt  }
0x81: {  	_ =	shalt  }
0x82: {  	_ =	shalt  }
0x83: {  	_ =	shalt  }
0x84: {  	_ =	shalt  }
0x85: {  	_ =	shalt  }
0x86: {  	_ =	shalt  }
0x87: {  	_ =	shalt  }
.Lfunc_end0:
.L_simem_size_0:
called_computation.1_lowered:
.L_overlay_start_0:
0x88: {  	s2 =	sld [smem:$0x3FD9]  }
0x89: {  	s3 =	sld [smem:$0x3FFE];
	_ =	sdelay $0x1  }
0x8a: {  	s1 =	srdreg.scid  }
0x8b: {  	s0 =	sand.u32 $0x1, s1  }
0x8c: {  	s17 =	sshll.u32 s0, $0xA;
	s2 =	sadd.s32 s3, s2  }
0x8d: {  	s2 =	sadd.s32 s2, s17  }
0x8e: {  	[smem:$0x3FC2] =	sst s2  }
0x8f: {  	_ = 	snop  }
0x90: {  	s2 =	sld [smem:$0x3FD0];
	(tm) =	ssettm $0x1  }
0x91: {  	s18 =	sld [smem:$0x3FFB];
	_ =	sdelay $0x3  }
0x92: {  	_ =	strace s18  }
0x93: {  	s3 =	sld [smem:$0x3FFC];
	_ =	sdelay $0x3  }
0x94: {  	_ =	strace s3  }
0x95: {  	s3 =	sld [smem:$0x3FFD];
	_ =	sdelay $0x3  }
0x96: {  	_ =	strace s3  }
0x97: {  	_ =	strace $0x8FFFFFFF  }
0x98: {  	s19 =	sld [smem:$0x3FDB];
	_ =	sdelay $0x1  }
0x99: {  	s4 =	simm.s32 $_scs_section_size  }
0x9a: {  	s5 =	simm.s32 $_size__tile_overlayer_lowered;
	s6 =	simm.s32 $_tile_overlayer_lowered  }
0x9b: {  	s22 =	simm.s32 $0x1BFF;
	s21 =	sshll.u32 s6, $0x1;
	s3 =	sadd.s32 s4, s19  }
0x9c: {  	s7 =	simm.s32 $0x0;
	s20 =	sshll.u32 s5, $0x1;
	s5 =	sadd.s32 s21, s3  }
0x9d: {  	[timem:s7], [sflag:s22] =	dma.local [hbm:s5], s20  }
0x9e: {  	_ =	swait.ge [sflag:s22], s20  }
0x9f: {  	s4 =	ssub.s32 $0x0, s20;
	[sflag:s22] =	ssyncset.done $0x0  }
0xa0: {  	[sflag:s22] =	ssyncadd.s32 s4;
	_ =	sdelay $0x1  }
0xa1: {  	s23 =	simm.s32 $0x1B8B  }
0xa2: {  	_ =	swait.ge [sflag:s23], $0x1  }
0xa3: {  	[sflag:s23] =	ssyncset.done $0x0  }
0xa4: {  	s25 =	simm.s32 $0x1B8E;
	s24 =	sld [smem:$0x3FFE];
	[sflag:s23] =	ssyncadd.s32 $0xFFFFFFFF  }
0xa5: {  	s26 =	simm.s32 $execute0_lowered;
	[smem:$0x3FD2] =	sst s25  }
0xa6: {  	s5 =	sshll.u32 s26, $0x1;
	_ =	strace $0x80000049;
	[dreg:$0x1] =	wrdreg $0xFFFFFFFF  }
0xa7: {  	s28 =	simm.s32 $_size_execute0_lowered;
	s3 =	sadd.s32 s3, s5;
	[dreg:$0x0] =	wrdreg $0x0  }
0xa8: {  	s5 =	sshll.u32 s28, $0x1;
	[dreg:$0x2] =	wrdreg s3  }
0xa9: {  	[dreg:$0x3] =	wrdreg s5  }
0xaa: {  	[dreg:$0x4] =	wrdreg $0xC0  }
0xab: {  	_ =	task [dreg:s7], $0x5FFFF  }
0xac: {  	[dreg:$0x1] =	wrdreg $0xFFFFFFFF  }
0xad: {  	[dreg:$0x0] =	wrdreg $0x60  }
0xae: {  	[dreg:$0x2] =	wrdreg s2  }
0xaf: {  	[dreg:$0x3] =	wrdreg s24  }
0xb0: {  	[dreg:$0x4] =	wrdreg $0xB9800  }
0xb1: {  	[dreg:$0x5] =	wrdreg $0x9  }
0xb2: {  	_ =	task.clear_ibuf [dreg:s7], $0x6FFFF;
	_ =	strace $0x90000049  }
0xb3: {  	s29 =	simm.s32 $0x9;
	_ =	strace $0x8000004B  }
0xb4: {  	_ =	swait.ge [sflag:s29], $0x1  }
0xb5: {  	[sflag:s29] =	ssyncadd.s32 $0xFFFFFFFF  }
0xb6: {  	_ =	strace $0x9000004B  }
0xb7: {  	_ =	sfence  }
0xb8: {  	s30 =	sld [smem:$0x0];
	_ =	sdelay $0x2  }
0xb9: {  	s31 =	sshll.u32 s1, $0xD;
	s1 =	sshrl.u32 s1, $0x2  }
0xba: {  	s3 =	sand.u32 $0x4000, s31;
	s1 =	sadd.s32 s1, s30  }
0xbb: {  	s0 =	sor.u32 s3, s0;
	s1 =	sshll.u32 s1, $0x11  }
0xbc: {  	s0 =	sor.u32 s1, s0  }
0xbd: {  	s0 =	sadd.s32 $0x8F2B, s0  }
0xbe: {  	[sflag:s0] =	ssyncadd.remote.s32 $0x1  }
0xbf: {  	_ =	sfence.sel $0xFFFF  }
0xc0: {  	[dreg:$0x0] =	wrdreg $0xFFFFFFFF;
	(pc) =	sbr.abs _section_cstart, $3  }
0xc1: {  	[dreg:$0x1] =	wrdreg $0xFFFFFFFF  }
0xc2: {  	_ =	task.clear_ibuf [dreg:s7], $0x2FFFF;
	_ =	strace $0x9FFFFFFF  }
0xc3: {  	(tm) =	ssettm $0x7FFFFFFF  }
tec
execute0_lowered:
.L_overlay_start_1:
0x0: {  	(tag) =	ssettag $0x1  }
0x1: {  	s1 =	rddreg [dreg:$0x0]  }
0x2: {  	s0 =	rddreg [dreg:$0x1]  }
0x3: {  	s2 =	rddreg [dreg:$0x2];
	s4 =	simm.s32 $0x0;
	s3 =	srdreg.scid  }
0x4: {  	s19 =	stileid.u32;
	s30 =	simm.s32 $0x9180;
	s31 =	simm.s32 $0x2  }
0x5: {  	[smem:$0x7FF] =	sst s4;
	s3 =	sand.u32 $0x1, s3;
	s7 =	smul.u32 $0x14000, s19  }
0x6: {  	s8 =	sadd.s32 $0x1BC00, s0;
	s24 =	smul.u32 $0x2710, s19;
	_ =	strace $0x8000004A  }
0x7: {  	s5 =	sshll.u32 s3, $0x4;
	s6 =	ssub.s32 $0x2, s3;
	s25 =	smul.u32 $0x140000, s3  }
0x8: {  	s3 =	smul.u32 $0x27100, s3;
	s5 =	sor.u32 s19, s5;
	s9 =	sshrl.u32 s6, $0x1  }
0x9: {  	s10 =	sor.u32 $0x2800, s7;
	s11 =	sadd.s32 $0x5000, s7;
	s12 =	sadd.s32 $0x7800, s7  }
0xa: {  	s14 =	sadd.s32 $0xA000, s7;
	s15 =	sadd.s32 $0xC800, s7;
	s16 =	sadd.s32 $0xF000, s7  }
0xb: {  	s17 =	sadd.s32 $0x11800, s7;
	s6 =	ssub.s32 s6, s9;
	s7 =	sadd.s32 s25, s7  }
0xc: {  	s13 =	sadd.s32 s25, s10;
	s18 =	sadd.s32 s25, s11;
	s20 =	sadd.s32 s25, s15  }
0xd: {  	s23 =	sadd.s32 s25, s16;
	s9 =	sadd.s32 s25, s17;
	s3 =	sadd.s32 s24, s3  }
0xe: {  	s29 =	sadd.s32 s15, s2;
	s24 =	sadd.s32 s17, s2;
	s7 =	sshrl.u32 s7, $0x3  }
0xf: {  	s13 =	sshrl.u32 s13, $0x3;
	s18 =	sshrl.u32 s18, $0x3;
	[dreg:$0x11] =	wrdreg s29  }
0x10: {  	s9 =	sshrl.u32 s9, $0x3;
	[dreg:$0x12] =	wrdreg s24;
	s7 =	sadd.s32 s8, s7  }
0x11: {  	s26 =	sadd.s32 s8, s13;
	s28 =	sadd.s32 s8, s18;
	s13 =	sadd.s32 s25, s12  }
0x12: {  	s18 =	sadd.s32 s25, s14;
	s25 =	sadd.s32 s8, s9;
	[dreg:$0x4] =	wrdreg s7  }
0x13: {  	s9 =	smax.u32 s6, $0x1;
	s6 =	simm.s32 $0x8;
	[dreg:$0x5] =	wrdreg s26  }
0x14: {  	[dreg:$0x6] =	wrdreg s28;
	s7 =	sshrl.u32 s13, $0x3;
	s13 =	sshrl.u32 s18, $0x3  }
0x15: {  	s18 =	sshrl.u32 s20, $0x3;
	[dreg:$0xb] =	wrdreg s25;
	s26 =	smul.u32 $0x2710, s5  }
0x16: {  	s5 =	sshll.u32 s5, $0xB;
	s28 =	smul.u32 $0x50000, s19;
	[dreg:$0xf] =	wrdreg s9  }
0x17: {  	s20 =	sadd.s32 s10, s2;
	s9 =	simm.s32 $0x4;
	s7 =	sadd.s32 s8, s7  }
0x18: {  	s10 =	simm.s32 $0x50;
	s21 =	sadd.s32 s8, s13;
	[dreg:$0x7] =	wrdreg s7  }
0x19: {  	s22 =	sadd.s32 s8, s18;
	s5 =	sadd.s32 s5, s0;
	[dreg:$0x8] =	wrdreg s21  }
0x1a: {  	s13 =	sadd.s32 $0x1800, s0;
	s0 =	sadd.s32 $0x1B600, s0;
	[dreg:$0x9] =	wrdreg s22  }
0x1b: {  	s7 =	sshrl.u32 s23, $0x3;
	[dreg:$0xc] =	wrdreg s0;
	s5 =	sadd.s32 $0xB600, s5  }
0x1c: {  	s21 =	sadd.s32 s11, s2;
	s22 =	sadd.s32 s12, s2;
	s11 =	sadd.s32 s14, s2  }
0x1d: {  	s12 =	sadd.s32 $0x190, s3;
	s23 =	sadd.s32 s16, s2;
	s14 =	sadd.s32 $0x140, s3  }
0x1e: {  	s16 =	sadd.s32 $0xF0, s3;
	s3 =	simm.s32 $0x0;
	s7 =	sadd.s32 s8, s7  }
0x1f: {  	[dreg:$0xd] =	wrdreg s5;
	s8 =	sshrl.u32 s28, $0x2;
	s0 =	sshrl.u32 s12, $0x3  }
0x20: {  	s17 =	smov.u32 s11;
	s15 =	sshrl.u32 s14, $0x3;
	[dreg:$0x15] =	wrdreg s16  }
0x21: {  	s5 =	simm.s32 $0x4180;
	s11 =	simm.s32 $0x5;
	[dreg:$0x10] =	wrdreg s23  }
0x22: {  	s12 =	simm.s32 $0x6980;
	[dreg:$0xa] =	wrdreg s7;
	s0 =	sadd.s32 s0, s13  }
0x23: {  	s7 =	sshrl.u32 s26, $0x3;
	[dreg:$0x13] =	wrdreg s0;
	s0 =	sadd.s32 s15, s13  }
0x24: {  	s14 =	simm.s32 $0x1;
	s7 =	sadd.s32 s13, s7;
	[dreg:$0x14] =	wrdreg s0  }
0x25: {  	s19 =	sadd.s32 s8, s2;
	s18 =	sadd.s32 $0xA, s7;
	[dreg:$0xe] =	wrdreg s7  }
0x26: {  	s8 =	simm.s32 $0x100;
	s25 =	sadd.s32 $0x14, s7;
	[dreg:$0x16] =	wrdreg s18  }
0x27: {  	s15 =	simm.s32 $0x7;
	s26 =	sadd.s32 $0x4CE, s7;
	[dreg:$0x17] =	wrdreg s25  }
0x28: {  	s28 =	sadd.s32 $0x4D8, s7;
	s7 =	simm.s32 $0x80;
	[dreg:$0x18] =	wrdreg s26  }
0x29: {  	s0 =	simm.s32 $0x3;
	[dreg:$0x19] =	wrdreg s28;
	s18 =	simm.s32 $0x6  }
.LBB2_1:
0x2a: {  	s16 =	rddreg [dreg:$0xc]  }
0x2b: {  	[tilespmem:s5], [sflag:$0x8] =	stream.linear.gather [hbm4b:s16+s4], $0x2800, $0x38;
	[tilespmem:$0x1F980] =	vst v63  }
0x2c: {  	_ =	swait.ge [sflag:s6], $0x2800  }
0x2d: {  	[sflag:s6] =	ssyncset.done $0x0  }
0x2e: {  	[sflag:s6] =	ssyncadd.s32 $0xFFFFD800  }
0x2f: {  	[spmem:s19] =	stream.linear.scatter [tilespmem:s5], [sflag:$0x8], $0x2800, $0x38;
	[tilespmem:$0x1F980] =	vst v63  }
0x30: {  	_ =	swait.ge [sflag:s6], $0x2800  }
0x31: {  	[sflag:s6] =	ssyncset.done $0x0  }
0x32: {  	[sflag:s6] =	ssyncadd.s32 $0xFFFFD800  }
0x33: {  	[spmem:s20] =	stream.linear.scatter [tilespmem:s5], [sflag:$0x8], $0x2800, $0x38;
	[tilespmem:$0x1F980] =	vst v63  }
0x34: {  	_ =	swait.ge [sflag:s6], $0x2800  }
0x35: {  	[sflag:s6] =	ssyncset.done $0x0  }
0x36: {  	[sflag:s6] =	ssyncadd.s32 $0xFFFFD800  }
0x37: {  	[spmem:s21] =	stream.linear.scatter [tilespmem:s5], [sflag:$0x8], $0x2800, $0x38;
	[tilespmem:$0x1F980] =	vst v63  }
0x38: {  	_ =	swait.ge [sflag:s6], $0x2800  }
0x39: {  	[sflag:s6] =	ssyncset.done $0x0  }
0x3a: {  	[sflag:s6] =	ssyncadd.s32 $0xFFFFD800  }
0x3b: {  	[spmem:s22] =	stream.linear.scatter [tilespmem:s5], [sflag:$0x8], $0x2800, $0x38;
	[tilespmem:$0x1F980] =	vst v63  }
0x3c: {  	_ =	swait.ge [sflag:s6], $0x2800  }
0x3d: {  	[sflag:s6] =	ssyncset.done $0x0  }
0x3e: {  	[sflag:s6] =	ssyncadd.s32 $0xFFFFD800  }
0x3f: {  	[spmem:s17] =	stream.linear.scatter [tilespmem:s5], [sflag:$0x8], $0x2800, $0x38;
	[tilespmem:$0x1F980] =	vst v63  }
0x40: {  	_ =	swait.ge [sflag:s6], $0x2800  }
0x41: {  	[sflag:s6] =	ssyncset.done $0x0  }
0x42: {  	s16 =	smov.u32 s29;
	[sflag:s6] =	ssyncadd.s32 $0xFFFFD800  }
0x43: {  	[spmem:s16] =	stream.linear.scatter [tilespmem:s5], [sflag:$0x8], $0x2800, $0x38;
	[tilespmem:$0x1F980] =	vst v63  }
0x44: {  	_ =	swait.ge [sflag:s6], $0x2800  }
0x45: {  	[sflag:s6] =	ssyncset.done $0x0  }
0x46: {  	[sflag:s6] =	ssyncadd.s32 $0xFFFFD800  }
0x47: {  	[spmem:s23] =	stream.linear.scatter [tilespmem:s5], [sflag:$0x8], $0x2800, $0x38;
	[tilespmem:$0x1F980] =	vst v63  }
0x48: {  	_ =	swait.ge [sflag:s6], $0x2800  }
0x49: {  	[sflag:s6] =	ssyncset.done $0x0  }
0x4a: {  	s28 =	smov.u32 s19;
	s19 =	smov.u32 s24;
	[sflag:s6] =	ssyncadd.s32 $0xFFFFD800  }
0x4b: {  	[spmem:s19] =	stream.linear.scatter [tilespmem:s5], [sflag:$0x8], $0x2800, $0x38;
	[tilespmem:$0x1F980] =	vst v63  }
0x4c: {  	_ =	swait.ge [sflag:s6], $0x2800  }
0x4d: {  	s25 =	smov.u32 s21;
	s24 =	smov.u32 s20;
	[sflag:s6] =	ssyncset.done $0x0  }
0x4e: {  	s21 =	simm.s32 $0x180;
	s20 =	rddreg [dreg:$0xd];
	[sflag:s6] =	ssyncadd.s32 $0xFFFFD800  }
0x4f: {  	[tilespmem:s21], [sflag:$0x8] =	stream.linear.gather [hbm4b:s20+s4], $0x3E80, $0x38;
	[tilespmem:$0x1F980] =	vst v63  }
0x50: {  	_ =	swait.ge [sflag:s6], $0x3E80  }
0x51: {  	[sflag:s6] =	ssyncset.done $0x0  }
0x52: {  	s26 =	smov.u32 s22;
	s22 =	rddreg [dreg:$0xe];
	[sflag:s6] =	ssyncadd.s32 $0xFFFFC180  }
0x53: {  	[tilespmem:s4], [sflag:$0x4] =	stream.linear.gather [hbm4b:s22+s4], $0x50, $0x38;
	[tilespmem:$0x1F980] =	vst v63  }
0x54: {  	s23 =	rddreg [dreg:$0x16]  }
0x55: {  	[tilespmem:s7], [sflag:$0x5] =	stream.linear.gather [hbm4b:s23+s4], $0x50, $0x38;
	[tilespmem:$0x1F980] =	vst v63  }
0x56: {  	s29 =	smov.u32 s17;
	s17 =	rddreg [dreg:$0x17]  }
0x57: {  	[tilespmem:s8], [sflag:$0x6] =	stream.linear.gather [hbm4b:s17+s4], $0x50, $0x38;
	[tilespmem:$0x1F980] =	vst v63  }
0x58: {  	_ =	swait.ge [sflag:s9], $0x50  }
0x59: {  	[sflag:s9] =	ssyncset.done $0x0  }
0x5a: {  	[sflag:s9] =	ssyncadd.s32 $0xFFFFFFB0  }
0x5b: {  	[tilespmem:s5], [sflag:$0x1] =	stream.indirect.gather [hbm4b:s1+s10], $0x80, s4, s10, $0xb8;
	[tilespmem:$0x1F980] =	vst v63  }
0x5c: {  	_ =	swait.ge [sflag:s11], $0x50  }
0x5d: {  	[sflag:s11] =	ssyncset.done $0x0  }
0x5e: {  	[sflag:s11] =	ssyncadd.s32 $0xFFFFFFB0  }
0x5f: {  	[tilespmem:s12], [sflag:$0x2] =	stream.indirect.gather [hbm4b:s1+s10], $0x80, s7, s10, $0xb8;
	[tilespmem:$0x1F980] =	vst v63  }
0x60: {  	[bflag:$0x0] =	sbarrier.arrive $0xFFFF  }
0x61: {  	_ =	swait.ge [sflag:s14], $0x2800  }
0x62: {  	s17 =	rddreg [dreg:$0x15]  }
0x63: {  	[sflag:s14] =	ssyncset.done $0x0;
	s19 =	sshrl.u32 s17, $0x3  }
0x64: {  	[sflag:s14] =	ssyncadd.s32 $0xFFFFD800;
	s16 =	sadd.s32 s13, s19  }
0x65: {  	[tilespmem:s4], [sflag:$0x4] =	stream.linear.gather [hbm4b:s16+s4], $0x50, $0x38;
	[tilespmem:$0x1F980] =	vst v63  }
0x66: {  	s20 =	simm.s32 $0x180  }
0x67: {  	[spmem:s2] =	stream.indirect.scatter.add.f32 [tilespmem:s5], [sflag:$0x7], $0x80, s20, s10, $0xb8;
	[tilespmem:$0x1F980] =	vst v63  }
0x68: {  	_ =	swait.ge [sflag:s15], $0x2800  }
0x69: {  	[sflag:s15] =	ssyncset.done $0x0  }
0x6a: {  	[sflag:s15] =	ssyncadd.s32 $0xFFFFD800  }
0x6b: {  	_ =	swait.ge [sflag:s18], $0x50  }
0x6c: {  	[sflag:s18] =	ssyncset.done $0x0  }
0x6d: {  	[sflag:s18] =	ssyncadd.s32 $0xFFFFFFB0  }
0x6e: {  	[tilespmem:s30], [sflag:$0x3] =	stream.indirect.gather [hbm4b:s1+s10], $0x80, s8, s10, $0xb8;
	[tilespmem:$0x1F980] =	vst v63  }
0x6f: {  	_ =	swait.ge [sflag:s31], $0x2800  }
0x70: {  	[sflag:s31] =	ssyncset.done $0x0  }
0x71: {  	s20 =	rddreg [dreg:$0x14];
	[sflag:s31] =	ssyncadd.s32 $0xFFFFD800  }
0x72: {  	[tilespmem:s7], [sflag:$0x5] =	stream.linear.gather [hbm4b:s20+s4], $0x50, $0x38;
	[tilespmem:$0x1F980] =	vst v63  }
0x73: {  	s21 =	simm.s32 $0x200  }
0x74: {  	[spmem:s2] =	stream.indirect.scatter.add.f32 [tilespmem:s12], [sflag:$0x7], $0x80, s21, s10, $0xb8;
	[tilespmem:$0x1F980] =	vst v63  }
0x75: {  	_ =	swait.ge [sflag:s15], $0x2800  }
0x76: {  	[sflag:s15] =	ssyncset.done $0x0  }
0x77: {  	[sflag:s15] =	ssyncadd.s32 $0xFFFFD800  }
0x78: {  	_ =	swait.ge [sflag:s9], $0x50  }
0x79: {  	[sflag:s9] =	ssyncset.done $0x0  }
0x7a: {  	[sflag:s9] =	ssyncadd.s32 $0xFFFFFFB0  }
0x7b: {  	[tilespmem:s5], [sflag:$0x1] =	stream.indirect.gather [hbm4b:s1+s10], $0x80, s4, s10, $0xb8;
	[tilespmem:$0x1F980] =	vst v63  }
0x7c: {  	_ =	swait.ge [sflag:s0], $0x2800  }
0x7d: {  	[sflag:s0] =	ssyncset.done $0x0  }
0x7e: {  	s22 =	rddreg [dreg:$0x13];
	[sflag:s0] =	ssyncadd.s32 $0xFFFFD800  }
0x7f: {  	[tilespmem:s8], [sflag:$0x6] =	stream.linear.gather [hbm4b:s22+s4], $0x50, $0x38;
	[tilespmem:$0x1F980] =	vst v63  }
0x80: {  	s23 =	simm.s32 $0x280  }
0x81: {  	[spmem:s2] =	stream.indirect.scatter.add.f32 [tilespmem:s30], [sflag:$0x7], $0x80, s23, s10, $0xb8;
	[tilespmem:$0x1F980] =	vst v63  }
0x82: {  	_ =	swait.ge [sflag:s15], $0x2800  }
0x83: {  	[sflag:s15] =	ssyncset.done $0x0  }
0x84: {  	[sflag:s15] =	ssyncadd.s32 $0xFFFFD800  }
0x85: {  	_ =	swait.ge [sflag:s11], $0x50  }
0x86: {  	s17 =	sadd.s32 $0xF0, s17;
	s16 =	simm.s32 $0x600;
	[sflag:s11] =	ssyncset.done $0x0  }
0x87: {  	s20 =	sadd.s32 $0x1E, s20;
	s19 =	sadd.s32 $0x1E, s22;
	[sflag:s11] =	ssyncadd.s32 $0xFFFFFFB0  }
.LBB2_2:
0x88: {  	[tilespmem:s12], [sflag:$0x2] =	stream.indirect.gather [hbm4b:s1+s10], $0x80, s7, s10, $0xb8;
	[tilespmem:$0x1F980] =	vst v63  }
0x89: {  	s21 =	smov.u32 s16  }
0x8a: {  	p0 =	sne.s32 s16, $0xEA00;
	s16 =	sadd.s32 $0x600, s16;
	_ =	swait.ge [sflag:s14], $0x2800  }
0x8b: {  	s22 =	sshrl.u32 s17, $0x3;
	[sflag:s14] =	ssyncset.done $0x0  }
0x8c: {  	s22 =	sadd.s32 s13, s22;
	s21 =	sshra.s32 s21, $0x2;
	[sflag:s14] =	ssyncadd.s32 $0xFFFFD800  }
0x8d: {  	[tilespmem:s4], [sflag:$0x4] =	stream.linear.gather [hbm4b:s22+s4], $0x50, $0x38;
	[tilespmem:$0x1F980] =	vst v63  }
0x8e: {  	s22 =	sadd.s32 $0x180, s21  }
0x8f: {  	[spmem:s2] =	stream.indirect.scatter.add.f32 [tilespmem:s5], [sflag:$0x7], $0x80, s22, s10, $0xb8;
	[tilespmem:$0x1F980] =	vst v63  }
0x90: {  	_ =	swait.ge [sflag:s15], $0x2800  }
0x91: {  	[sflag:s15] =	ssyncset.done $0x0  }
0x92: {  	[sflag:s15] =	ssyncadd.s32 $0xFFFFD800  }
0x93: {  	_ =	swait.ge [sflag:s18], $0x50  }
0x94: {  	[sflag:s18] =	ssyncset.done $0x0  }
0x95: {  	[sflag:s18] =	ssyncadd.s32 $0xFFFFFFB0  }
0x96: {  	[tilespmem:s30], [sflag:$0x3] =	stream.indirect.gather [hbm4b:s1+s10], $0x80, s8, s10, $0xb8;
	[tilespmem:$0x1F980] =	vst v63  }
0x97: {  	_ =	swait.ge [sflag:s31], $0x2800  }
0x98: {  	[sflag:s31] =	ssyncset.done $0x0  }
0x99: {  	[sflag:s31] =	ssyncadd.s32 $0xFFFFD800  }
0x9a: {  	[tilespmem:s7], [sflag:$0x5] =	stream.linear.gather [hbm4b:s20+s4], $0x50, $0x38;
	[tilespmem:$0x1F980] =	vst v63  }
0x9b: {  	s22 =	sadd.s32 $0x200, s21  }
0x9c: {  	[spmem:s2] =	stream.indirect.scatter.add.f32 [tilespmem:s12], [sflag:$0x7], $0x80, s22, s10, $0xb8;
	[tilespmem:$0x1F980] =	vst v63  }
0x9d: {  	_ =	swait.ge [sflag:s15], $0x2800  }
0x9e: {  	[sflag:s15] =	ssyncset.done $0x0  }
0x9f: {  	[sflag:s15] =	ssyncadd.s32 $0xFFFFD800  }
0xa0: {  	_ =	swait.ge [sflag:s9], $0x50  }
0xa1: {  	[sflag:s9] =	ssyncset.done $0x0  }
0xa2: {  	[sflag:s9] =	ssyncadd.s32 $0xFFFFFFB0  }
0xa3: {  	[tilespmem:s5], [sflag:$0x1] =	stream.indirect.gather [hbm4b:s1+s10], $0x80, s4, s10, $0xb8;
	[tilespmem:$0x1F980] =	vst v63  }
0xa4: {  	_ =	swait.ge [sflag:s0], $0x2800  }
0xa5: {  	[sflag:s0] =	ssyncset.done $0x0  }
0xa6: {  	[sflag:s0] =	ssyncadd.s32 $0xFFFFD800  }
0xa7: {  	[tilespmem:s8], [sflag:$0x6] =	stream.linear.gather [hbm4b:s19+s4], $0x50, $0x38;
	[tilespmem:$0x1F980] =	vst v63  }
0xa8: {  	s21 =	sadd.s32 $0x280, s21  }
0xa9: {  	[spmem:s2] =	stream.indirect.scatter.add.f32 [tilespmem:s30], [sflag:$0x7], $0x80, s21, s10, $0xb8;
	[tilespmem:$0x1F980] =	vst v63  }
0xaa: {  	_ =	swait.ge [sflag:s15], $0x2800  }
.Ltmp0:
0xab: {  	[sflag:s15] =	ssyncset.done $0x0;
	(pc) =	sbr.rel @p0 .LBB2_2-.Ltmp0, $4  }
0xac: {  	[sflag:s15] =	ssyncadd.s32 $0xFFFFD800  }
0xad: {  	_ =	swait.ge [sflag:s11], $0x50  }
0xae: {  	s17 =	sadd.s32 $0xF0, s17;
	[sflag:s11] =	ssyncset.done $0x0  }
0xaf: {  	s20 =	sadd.s32 $0x1E, s20;
	s19 =	sadd.s32 $0x1E, s19;
	[sflag:s11] =	ssyncadd.s32 $0xFFFFFFB0  }
0xb0: {  	[tilespmem:s12], [sflag:$0x2] =	stream.indirect.gather [hbm4b:s1+s10], $0x80, s7, s10, $0xb8;
	[tilespmem:$0x1F980] =	vst v63  }
0xb1: {  	_ =	swait.ge [sflag:s14], $0x2800  }
0xb2: {  	[sflag:s14] =	ssyncset.done $0x0  }
0xb3: {  	s16 =	rddreg [dreg:$0x18];
	[sflag:s14] =	ssyncadd.s32 $0xFFFFD800  }
0xb4: {  	[tilespmem:s4], [sflag:$0x4] =	stream.linear.gather [hbm4b:s16+s4], $0x50, $0x38;
	[tilespmem:$0x1F980] =	vst v63  }
0xb5: {  	s23 =	simm.s32 $0x3D80  }
0xb6: {  	[spmem:s2] =	stream.indirect.scatter.add.f32 [tilespmem:s5], [sflag:$0x7], $0x80, s23, s10, $0xb8;
	[tilespmem:$0x1F980] =	vst v63  }
0xb7: {  	_ =	swait.ge [sflag:s15], $0x2800  }
0xb8: {  	[sflag:s15] =	ssyncset.done $0x0  }
0xb9: {  	[sflag:s15] =	ssyncadd.s32 $0xFFFFD800  }
0xba: {  	_ =	swait.ge [sflag:s18], $0x50  }
0xbb: {  	[sflag:s18] =	ssyncset.done $0x0  }
0xbc: {  	[sflag:s18] =	ssyncadd.s32 $0xFFFFFFB0  }
0xbd: {  	[tilespmem:s30], [sflag:$0x3] =	stream.indirect.gather [hbm4b:s1+s10], $0x80, s8, s10, $0xb8;
	[tilespmem:$0x1F980] =	vst v63  }
0xbe: {  	_ =	swait.ge [sflag:s31], $0x2800  }
0xbf: {  	[sflag:s31] =	ssyncset.done $0x0  }
0xc0: {  	s17 =	rddreg [dreg:$0x19];
	[sflag:s31] =	ssyncadd.s32 $0xFFFFD800  }
0xc1: {  	[tilespmem:s7], [sflag:$0x5] =	stream.linear.gather [hbm4b:s17+s4], $0x50, $0x38;
	[tilespmem:$0x1F980] =	vst v63  }
0xc2: {  	s19 =	simm.s32 $0x3E00  }
0xc3: {  	[spmem:s2] =	stream.indirect.scatter.add.f32 [tilespmem:s12], [sflag:$0x7], $0x80, s19, s10, $0xb8;
	[tilespmem:$0x1F980] =	vst v63  }
0xc4: {  	_ =	swait.ge [sflag:s15], $0x2800  }
0xc5: {  	[sflag:s15] =	ssyncset.done $0x0  }
0xc6: {  	[sflag:s15] =	ssyncadd.s32 $0xFFFFD800  }
0xc7: {  	_ =	swait.ge [sflag:s9], $0x50  }
0xc8: {  	[sflag:s9] =	ssyncset.done $0x0  }
0xc9: {  	[sflag:s9] =	ssyncadd.s32 $0xFFFFFFB0  }
0xca: {  	[tilespmem:s5], [sflag:$0x1] =	stream.indirect.gather [hbm4b:s1+s10], $0x80, s4, s10, $0xb8;
	[tilespmem:$0x1F980] =	vst v63  }
0xcb: {  	_ =	swait.ge [sflag:s0], $0x2800  }
0xcc: {  	[sflag:s0] =	ssyncset.done $0x0  }
0xcd: {  	s20 =	simm.s32 $0x3E80;
	[sflag:s0] =	ssyncadd.s32 $0xFFFFD800  }
0xce: {  	[spmem:s2] =	stream.indirect.scatter.add.f32 [tilespmem:s30], [sflag:$0x7], $0x80, s20, s10, $0xb8;
	[tilespmem:$0x1F980] =	vst v63  }
0xcf: {  	_ =	swait.ge [sflag:s15], $0x2800  }
0xd0: {  	[sflag:s15] =	ssyncset.done $0x0  }
0xd1: {  	[sflag:s15] =	ssyncadd.s32 $0xFFFFD800  }
0xd2: {  	_ =	swait.ge [sflag:s11], $0x50  }
0xd3: {  	[sflag:s11] =	ssyncset.done $0x0  }
0xd4: {  	[sflag:s11] =	ssyncadd.s32 $0xFFFFFFB0  }
0xd5: {  	[tilespmem:s12], [sflag:$0x2] =	stream.indirect.gather [hbm4b:s1+s10], $0x80, s7, s10, $0xb8;
	[tilespmem:$0x1F980] =	vst v63  }
0xd6: {  	_ =	swait.ge [sflag:s14], $0x2800  }
0xd7: {  	[sflag:s14] =	ssyncset.done $0x0  }
0xd8: {  	s21 =	simm.s32 $0x3F00;
	[sflag:s14] =	ssyncadd.s32 $0xFFFFD800  }
0xd9: {  	[spmem:s2] =	stream.indirect.scatter.add.f32 [tilespmem:s5], [sflag:$0x7], $0x80, s21, s10, $0xb8;
	[tilespmem:$0x1F980] =	vst v63  }
0xda: {  	_ =	swait.ge [sflag:s15], $0x2800  }
0xdb: {  	[sflag:s15] =	ssyncset.done $0x0  }
0xdc: {  	[sflag:s15] =	ssyncadd.s32 $0xFFFFD800  }
0xdd: {  	_ =	swait.ge [sflag:s31], $0x2800  }
0xde: {  	[sflag:s31] =	ssyncset.done $0x0  }
0xdf: {  	s22 =	simm.s32 $0x3F80;
	[sflag:s31] =	ssyncadd.s32 $0xFFFFD800  }
0xe0: {  	[spmem:s2] =	stream.indirect.scatter.add.f32 [tilespmem:s12], [sflag:$0x7], $0x80, s22, s10, $0xb8;
	[tilespmem:$0x1F980] =	vst v63  }
0xe1: {  	_ =	swait.ge [sflag:s15], $0x2800  }
0xe2: {  	[sflag:s15] =	ssyncset.done $0x0  }
0xe3: {  	[sflag:s15] =	ssyncadd.s32 $0xFFFFD800  }
0xe4: {  	[bflag:$0x0] =	sbarrier.arrive $0xFFFF  }
0xe5: {  	[tilespmem:s5], [sflag:$0x8] =	stream.linear.gather [spmem:s28], $0x2800, $0x38;
	[tilespmem:$0x1F980] =	vst v63  }
0xe6: {  	_ =	swait.ge [sflag:s6], $0x2800  }
0xe7: {  	[sflag:s6] =	ssyncset.done $0x0  }
0xe8: {  	s23 =	rddreg [dreg:$0x4];
	[sflag:s6] =	ssyncadd.s32 $0xFFFFD800  }
0xe9: {  	[hbm4b:s23+s4] =	stream.linear.scatter [tilespmem:s5], [sflag:$0x8], $0x2800, $0x38;
	[tilespmem:$0x1F980] =	vst v63  }
0xea: {  	_ =	swait.ge [sflag:s6], $0x2800  }
0xeb: {  	[sflag:s6] =	ssyncset.done $0x0  }
0xec: {  	[sflag:s6] =	ssyncadd.s32 $0xFFFFD800  }
0xed: {  	[tilespmem:s5], [sflag:$0x8] =	stream.linear.gather [spmem:s24], $0x2800, $0x38;
	[tilespmem:$0x1F980] =	vst v63  }
0xee: {  	_ =	swait.ge [sflag:s6], $0x2800  }
0xef: {  	[sflag:s6] =	ssyncset.done $0x0  }
0xf0: {  	s20 =	smov.u32 s24;
	s24 =	rddreg [dreg:$0x5];
	[sflag:s6] =	ssyncadd.s32 $0xFFFFD800  }
0xf1: {  	[hbm4b:s24+s4] =	stream.linear.scatter [tilespmem:s5], [sflag:$0x8], $0x2800, $0x38;
	[tilespmem:$0x1F980] =	vst v63  }
0xf2: {  	_ =	swait.ge [sflag:s6], $0x2800  }
0xf3: {  	[sflag:s6] =	ssyncset.done $0x0  }
0xf4: {  	[sflag:s6] =	ssyncadd.s32 $0xFFFFD800  }
0xf5: {  	[tilespmem:s5], [sflag:$0x8] =	stream.linear.gather [spmem:s25], $0x2800, $0x38;
	[tilespmem:$0x1F980] =	vst v63  }
0xf6: {  	_ =	swait.ge [sflag:s6], $0x2800  }
0xf7: {  	[sflag:s6] =	ssyncset.done $0x0  }
0xf8: {  	s19 =	smov.u32 s28;
	s28 =	rddreg [dreg:$0x6];
	[sflag:s6] =	ssyncadd.s32 $0xFFFFD800  }
0xf9: {  	[hbm4b:s28+s4] =	stream.linear.scatter [tilespmem:s5], [sflag:$0x8], $0x2800, $0x38;
	[tilespmem:$0x1F980] =	vst v63  }
0xfa: {  	_ =	swait.ge [sflag:s6], $0x2800  }
0xfb: {  	[sflag:s6] =	ssyncset.done $0x0  }
0xfc: {  	[sflag:s6] =	ssyncadd.s32 $0xFFFFD800  }
0xfd: {  	[tilespmem:s5], [sflag:$0x8] =	stream.linear.gather [spmem:s26], $0x2800, $0x38;
	[tilespmem:$0x1F980] =	vst v63  }
0xfe: {  	_ =	swait.ge [sflag:s6], $0x2800  }
0xff: {  	[sflag:s6] =	ssyncset.done $0x0  }
0x100: {  	s17 =	rddreg [dreg:$0x7];
	[sflag:s6] =	ssyncadd.s32 $0xFFFFD800  }
0x101: {  	[hbm4b:s17+s4] =	stream.linear.scatter [tilespmem:s5], [sflag:$0x8], $0x2800, $0x38;
	[tilespmem:$0x1F980] =	vst v63  }
0x102: {  	_ =	swait.ge [sflag:s6], $0x2800  }
0x103: {  	[sflag:s6] =	ssyncset.done $0x0  }
0x104: {  	[sflag:s6] =	ssyncadd.s32 $0xFFFFD800  }
0x105: {  	[tilespmem:s5], [sflag:$0x8] =	stream.linear.gather [spmem:s29], $0x2800, $0x38;
	[tilespmem:$0x1F980] =	vst v63  }
0x106: {  	_ =	swait.ge [sflag:s6], $0x2800  }
0x107: {  	[sflag:s6] =	ssyncset.done $0x0  }
0x108: {  	s23 =	rddreg [dreg:$0x8];
	[sflag:s6] =	ssyncadd.s32 $0xFFFFD800  }
0x109: {  	[hbm4b:s23+s4] =	stream.linear.scatter [tilespmem:s5], [sflag:$0x8], $0x2800, $0x38;
	[tilespmem:$0x1F980] =	vst v63  }
0x10a: {  	_ =	swait.ge [sflag:s6], $0x2800  }
0x10b: {  	[sflag:s6] =	ssyncset.done $0x0  }
0x10c: {  	s17 =	smov.u32 s29;
	s29 =	rddreg [dreg:$0x11];
	[sflag:s6] =	ssyncadd.s32 $0xFFFFD800  }
0x10d: {  	[tilespmem:s5], [sflag:$0x8] =	stream.linear.gather [spmem:s29], $0x2800, $0x38;
	[tilespmem:$0x1F980] =	vst v63  }
0x10e: {  	_ =	swait.ge [sflag:s6], $0x2800  }
0x10f: {  	[sflag:s6] =	ssyncset.done $0x0  }
0x110: {  	s24 =	rddreg [dreg:$0x9];
	[sflag:s6] =	ssyncadd.s32 $0xFFFFD800  }
0x111: {  	[hbm4b:s24+s4] =	stream.linear.scatter [tilespmem:s5], [sflag:$0x8], $0x2800, $0x38;
	[tilespmem:$0x1F980] =	vst v63  }
0x112: {  	_ =	swait.ge [sflag:s6], $0x2800  }
0x113: {  	[sflag:s6] =	ssyncset.done $0x0  }
0x114: {  	s23 =	rddreg [dreg:$0x10];
	[sflag:s6] =	ssyncadd.s32 $0xFFFFD800  }
0x115: {  	[tilespmem:s5], [sflag:$0x8] =	stream.linear.gather [spmem:s23], $0x2800, $0x38;
	[tilespmem:$0x1F980] =	vst v63  }
0x116: {  	_ =	swait.ge [sflag:s6], $0x2800  }
0x117: {  	[sflag:s6] =	ssyncset.done $0x0  }
0x118: {  	s21 =	smov.u32 s25;
	s25 =	rddreg [dreg:$0xa];
	[sflag:s6] =	ssyncadd.s32 $0xFFFFD800  }
0x119: {  	[hbm4b:s25+s4] =	stream.linear.scatter [tilespmem:s5], [sflag:$0x8], $0x2800, $0x38;
	[tilespmem:$0x1F980] =	vst v63  }
0x11a: {  	_ =	swait.ge [sflag:s6], $0x2800  }
0x11b: {  	[sflag:s6] =	ssyncset.done $0x0  }
0x11c: {  	s24 =	rddreg [dreg:$0x12];
	[sflag:s6] =	ssyncadd.s32 $0xFFFFD800  }
0x11d: {  	[tilespmem:s5], [sflag:$0x8] =	stream.linear.gather [spmem:s24], $0x2800, $0x38;
	[tilespmem:$0x1F980] =	vst v63  }
0x11e: {  	_ =	swait.ge [sflag:s6], $0x2800  }
0x11f: {  	[sflag:s6] =	ssyncset.done $0x0  }
0x120: {  	s22 =	smov.u32 s26;
	s26 =	rddreg [dreg:$0xb];
	[sflag:s6] =	ssyncadd.s32 $0xFFFFD800  }
0x121: {  	[hbm4b:s26+s4] =	stream.linear.scatter [tilespmem:s5], [sflag:$0x8], $0x2800, $0x38;
	[tilespmem:$0x1F980] =	vst v63  }
0x122: {  	_ =	swait.ge [sflag:s6], $0x2800  }
0x123: {  	s3 =	sadd.s32 $0x1, s3;
	s28 =	rddreg [dreg:$0xf]  }
0x124: {  	p0 =	sne.s32 s3, s28  }
.Ltmp1:
0x125: {  	_ = 	snop;
	(pc) =	sbr.rel @p0 .LBB2_1-.Ltmp1, $3  }
0x126: {  	_ =	sdelay $0x1  }
0x127: {  	[sflag:s6] =	ssyncset.done $0x0  }
0x128: {  	[sflag:s6] =	ssyncadd.s32 $0xFFFFD800  }
0x129: {  	_ =	sfence.sel $0x180000  }
0x12a: {  	[bflag:$0x0] =	sbarrier.arrive $0xFFFF  }
0x12b: {  	_ =	strace $0x9000004A  }
0x12c: {  	s0 =	stileid.u32;
	[bflag:$0x2] =	sbarrier.arrive $0xFFFF  }
0x12d: {  	p0 =	sne.s32 s0, $0x0;
	s0 =	rddreg [dreg:$0x3]  }
0x12e: {  	s0 =	sadd.s32 @!p0 $0x100000, s0  }
0x12f: {  	[sflag:s0] =	ssyncadd.tile.s32 @!p0 $0x1;
	_ =	shalt  }
.Lfunc_end2:
_tile_overlayer_lowered:
.L_overlay_start_2:
0x130: {  	(tag) =	ssettag $0x2  }
0x131: {  	s0 =	rddreg [dreg:$0x0];
	s2 =	stileid.u32  }
0x132: {  	s1 =	rddreg [dreg:$0x1];
	p0 =	sne.s32 s2, $0x0  }
0x133: {  	s3 =	rddreg [dreg:$0x2];
	[bflag:$0x3] =	sbarrier.arrive $0xFFFF;
	s2 =	simm.s32 @!p0 $0x1C08  }
0x134: {  	[timem:s3], [sflag:s2] =	dma.local @!p0 [hbm:s0], s1  }
0x135: {  	s0 =	simm.s32 @!p0 $0x8  }
0x136: {  	_ =	swait.ge @!p0 [sflag:s0], s1  }
0x137: {  	s1 =	ssub.s32 @!p0 $0x0, s1;
	[sflag:s0] =	ssyncset.done @!p0 $0x0  }
0x138: {  	[sflag:s0] =	ssyncadd.s32 @!p0 s1  }
0x139: {  	[bflag:$0x3] =	sbarrier.arrive $0xFFFF  }
0x13a: {  	_ =	shalt  }

</sc_bundles>
